<compile_context>
chip_gen: v7x
topology: tpu7x:2x2x1
jax: 0.10.2.dev20260603
libtpu: 0.0.44.dev20260713+nightly
codegen_flags: <defaults>
</compile_context>

<pallas_src>
import functools

import jax
import jax.numpy as jnp
from jax import lax
from jax.experimental import pallas as pl
from jax.experimental.pallas import tpu as pltpu
from jax.experimental.pallas import tpu_sc as plsc

B, O, T, V, D, H, S = 64, 32, 12, 10000, 256, 512, 64
BO = B * O
VPAD = 10240
VBLK = 1024

_SC_ROWS = 8


def _sc_gather_body(table_hbm, idx_hbm, out_hbm, idx_v, rows_v, sem):
    wid = lax.axis_index("s") * 2 + lax.axis_index("c")

    @pl.when(wid < B // _SC_ROWS)
    def _():
        base = wid * _SC_ROWS
        pltpu.sync_copy(idx_hbm.at[pl.ds(base, _SC_ROWS)], idx_v)
        pltpu.async_copy(table_hbm.at[idx_v], rows_v, sem).wait()
        pltpu.sync_copy(rows_v, out_hbm.at[pl.ds(base, _SC_ROWS)])


def _sc_gather(emb_table, lhs):
    mesh = plsc.VectorSubcoreMesh(core_axis_name="c", subcore_axis_name="s")
    import functools as _ft
    k = _ft.partial(
        pl.kernel, mesh=mesh,
        out_type=jax.ShapeDtypeStruct((B, D), jnp.float32),
        scratch_types=[
            pltpu.VMEM((_SC_ROWS,), jnp.int32),
            pltpu.VMEM((_SC_ROWS, D), jnp.float32),
            pltpu.SemaphoreType.DMA,
        ],
    )(_sc_gather_body)
    return k(emb_table, lhs)


def _init_kernel(lhs_emb_ref, W_map_ref, b_map_ref, out_ref):
    f32 = jnp.float32
    out_ref[...] = jnp.tanh(
        jnp.dot(lhs_emb_ref[...], W_map_ref[...], preferred_element_type=f32)
        + b_map_ref[...])


def _gru_kernel(rhs_init_ref, oh_ref, msk_ref, emb2_ref, W_ih_ref,
                b_gru_ref, W_hh_ref, opt_ref):
    f32 = jnp.float32
    h0 = jnp.reshape(
        jnp.broadcast_to(rhs_init_ref[...][:, None, :], (B, O, H)),
        (BO, H))

    E2 = jnp.dot(emb2_ref[...], W_ih_ref[:D, :],
                 preferred_element_type=f32)
    c = jax.lax.broadcasted_iota(jnp.int32, (16, 1), 0)
    s_bit = (c & 1).astype(f32)
    pg_bit = ((c >> 1) & 1).astype(f32)
    fg_bit = ((c >> 2) & 1).astype(f32)
    eq_bit = ((c >> 3) & 1).astype(f32)
    G = (E2[0:1, :] + s_bit * (E2[1:2, :] - E2[0:1, :])
         + pg_bit * W_ih_ref[D:D + 1, :]
         + fg_bit * W_ih_ref[D + 1:D + 2, :]
         + eq_bit * W_ih_ref[D + 2:D + 3, :]
         + b_gru_ref[...])

    last = jnp.clip(jnp.sum(msk_ref[...], axis=1, keepdims=True) - 1,
                    0, T - 1)
    bf16 = jnp.bfloat16
    W_hh = W_hh_ref[...].astype(bf16)
    G = G.astype(bf16)

    def one_step(t, h, opt):
        oh = jnp.reshape(oh_ref[pl.ds(t, 1), :, :], (BO, 16))
        gi = jnp.dot(oh.astype(bf16), G, preferred_element_type=f32)
        gh = jnp.dot(h.astype(bf16), W_hh,
                     preferred_element_type=f32)
        r = jax.nn.sigmoid(gi[:, :H] + gh[:, :H])
        z = jax.nn.sigmoid(gi[:, H:2 * H] + gh[:, H:2 * H])
        n = jnp.tanh(gi[:, 2 * H:] + r * gh[:, 2 * H:])
        h = (1.0 - z) * n + z * h
        opt = jnp.where(last == t, h, opt)
        return h, opt

    def pair(p, carry):
        h, opt = carry
        h, opt = one_step(2 * p, h, opt)
        h, opt = one_step(2 * p + 1, h, opt)
        return h, opt

    _, opt = jax.lax.fori_loop(
        0, T // 2, pair, (h0, jnp.zeros((BO, H), f32)))
    opt_ref[...] = opt


def _attn_kernel(opt_ref, ctx_ref, ts_ref, sym_ref,
                 msk_ref, ss_ref, W_s1_ref, b_s1_ref, W_s2_ref, W_upd_ref,
                 b_upd_ref, prob_ref, tree_ref, crep_ref, csym_ref,
                 qctx_ref):
    f32 = jnp.float32
    inv_sqrt_h = 1.0 / jnp.sqrt(jnp.float32(H))

    CB = 8
    NCH = B // CB
    RW, CW = CB * O, CB * S
    r_blk = jax.lax.broadcasted_iota(jnp.int32, (RW, CW), 0) // O
    c_blk = jax.lax.broadcasted_iota(jnp.int32, (RW, CW), 1) // S
    bias = jnp.where(r_blk == c_blk, 0.0, -1e30).astype(f32)

    def body(c, _):
        opt_c = opt_ref[pl.ds(c * RW, RW), :]
        ctx_c = ctx_ref[pl.ds(c * CW, CW), :]
        scores = jnp.dot(opt_c, ctx_c.T,
                         preferred_element_type=f32) * inv_sqrt_h + bias
        m = jnp.max(scores, axis=1, keepdims=True)
        e = jnp.exp(scores - m)
        attn = e / jnp.sum(e, axis=1, keepdims=True)
        qctx_ref[pl.ds(c * RW, RW), :] = jnp.dot(
            attn, ctx_c, preferred_element_type=f32)
        return 0

    jax.lax.fori_loop(0, NCH, body, 0)

    tsc = jnp.dot(ts_ref[...], W_s1_ref[2 * H:, :],
                  preferred_element_type=f32)
    tsc_rep = jnp.reshape(
        jnp.broadcast_to(tsc[:, None, :], (B, O, H)), (BO, H))
    X = (jnp.dot(opt_ref[...], W_s1_ref[:H, :], preferred_element_type=f32)
         + jnp.dot(qctx_ref[...], W_s1_ref[H:2 * H, :],
                   preferred_element_type=f32)
         + tsc_rep + b_s1_ref[...])
    logit = jnp.dot(jnp.tanh(X), W_s2_ref[...],
                    preferred_element_type=f32)
    opt_mask = jnp.sum(msk_ref[...], axis=1, keepdims=True) > 0
    logit = jnp.where(opt_mask, logit, -1e9)

    rowsT = jax.lax.broadcasted_iota(jnp.int32, (B, BO), 0)
    colsT = jax.lax.broadcasted_iota(jnp.int32, (B, BO), 1)
    GbT = (colsT // O == rowsT).astype(f32)
    o_ids = jax.lax.broadcasted_iota(jnp.int32, (BO, O), 1)
    r_mod = jax.lax.broadcasted_iota(jnp.int32, (BO, O), 0) % O
    Po = (o_ids == r_mod).astype(f32)

    def fold(col_bo1):
        return jnp.dot(GbT, Po * col_bo1, preferred_element_type=f32)

    logit_bo = fold(logit)
    m = jnp.max(logit_bo, axis=1, keepdims=True)
    e = jnp.exp(logit_bo - m)
    prob_ref[...] = e / jnp.sum(e, axis=1, keepdims=True)

    eq_ss = (sym_ref[...] == ss_ref[...])
    mskb = msk_ref[...] == 1
    partial = jnp.sum((eq_ss & mskb).astype(jnp.int32), axis=1,
                      keepdims=True)
    full = jnp.all(eq_ss | jnp.logical_not(mskb), axis=1, keepdims=True)
    cscore = (partial + full.astype(jnp.int32) * T).astype(f32)
    cscore_bo = fold(cscore)
    cmax = jnp.max(cscore_bo, axis=1, keepdims=True)
    oid_row = jax.lax.broadcasted_iota(jnp.int32, (B, O), 1)
    choice = jnp.min(jnp.where(cscore_bo == cmax, oid_row, O),
                     axis=1).astype(jnp.int32)

    r_ids = jax.lax.broadcasted_iota(jnp.int32, (B, BO), 1)
    b_ids = jax.lax.broadcasted_iota(jnp.int32, (B, BO), 0)
    sel = ((r_ids // O == b_ids)
           & (r_ids % O == choice[:, None])).astype(f32)
    crep = jnp.dot(sel, opt_ref[...], preferred_element_type=f32)
    crep_ref[...] = crep
    csym_ref[...] = jnp.dot(sel, sym_ref[...].astype(f32),
                            preferred_element_type=f32)

    ts = ts_ref[...]
    tree_ref[...] = jnp.tanh(
        jnp.dot(ts, W_upd_ref[:H, :], preferred_element_type=f32)
        + jnp.dot(crep, W_upd_ref[H:, :], preferred_element_type=f32)
        + b_upd_ref[...])


def _tok_kernel(emb2_ref, ts_ref, crep_ref, csym_ref, W_tok_ref,
                b_tok_ref, out_ref):
    f32 = jnp.float32
    P2 = jnp.dot(emb2_ref[...], W_tok_ref[:D, :],
                 preferred_element_type=f32)
    A = (jnp.dot(ts_ref[...], W_tok_ref[D:D + H, :],
                 preferred_element_type=f32)
         + jnp.dot(crep_ref[...], W_tok_ref[D + H:, :],
                   preferred_element_type=f32)
         + b_tok_ref[...])
    cs = csym_ref[...][:, :, None]
    out_ref[...] = (A[:, None, :] + P2[0:1, :][None]
                    + cs * (P2[1:2, :] - P2[0:1, :])[None])


def kernel(lhs, grammar_guide, step_symbols, tree_state, context, emb_table,
           W_map, b_map, W_ih, W_hh, b_gru, W_s1, b_s1, W_s2, W_upd, b_upd,
           W_tok, b_tok):
    f32 = jnp.float32
    i32 = jnp.int32
    gg = grammar_guide.astype(i32)
    sym = gg[:, :, 0, :].reshape(BO, T)
    pg = gg[:, :, 1, :].reshape(BO, T)
    fg = gg[:, :, 2, :].reshape(BO, T)
    msk = gg[:, :, 3, :].reshape(BO, T)
    lhs = lhs.astype(i32)
    eq = (sym == jnp.repeat(lhs, O)[:, None]).astype(i32)
    combo = sym + 2 * pg + 4 * fg + 8 * eq
    oh_steps = (combo.T[:, :, None]
                == jnp.arange(16, dtype=i32)[None, None, :]).astype(f32)
    ss_rep = jnp.broadcast_to(
        step_symbols.astype(i32)[:, None, :], (B, O, T)).reshape(BO, T)
    emb2 = emb_table[:2]
    ctx_flat = context.reshape(B * S, H)

    lhs_emb = _sc_gather(emb_table, lhs)
    rhs_init = pl.pallas_call(
        _init_kernel,
        out_shape=jax.ShapeDtypeStruct((B, H), f32),
    )(lhs_emb, W_map, b_map.reshape(1, H))

    opt_repr = pl.pallas_call(
        _gru_kernel,
        out_shape=jax.ShapeDtypeStruct((BO, H), f32),
    )(rhs_init, oh_steps, msk, emb2, W_ih, b_gru.reshape(1, 3 * H), W_hh)

    opt_prob, new_tree, chosen_repr, chosen_sym = pl.pallas_call(
        _attn_kernel,
        out_shape=(
            jax.ShapeDtypeStruct((B, O), f32),
            jax.ShapeDtypeStruct((B, H), f32),
            jax.ShapeDtypeStruct((B, H), f32),
            jax.ShapeDtypeStruct((B, T), f32),
        ),
        scratch_shapes=[pltpu.VMEM((BO, H), f32)],
    )(opt_repr, ctx_flat, tree_state, sym, msk, ss_rep,
      W_s1, b_s1.reshape(1, H), W_s2, W_upd, b_upd.reshape(1, H))

    nblk = VPAD // VBLK
    tok_logit = pl.pallas_call(
        _tok_kernel,
        grid=(nblk,),
        in_specs=[
            pl.BlockSpec((2, D), lambda j: (0, 0)),
            pl.BlockSpec((B, H), lambda j: (0, 0)),
            pl.BlockSpec((B, H), lambda j: (0, 0)),
            pl.BlockSpec((B, T), lambda j: (0, 0)),
            pl.BlockSpec((D + 2 * H, VBLK), lambda j: (0, j)),
            pl.BlockSpec((1, VBLK), lambda j: (0, j)),
        ],
        out_specs=pl.BlockSpec((B, T, VBLK), lambda j: (0, 0, j)),
        out_shape=jax.ShapeDtypeStruct((B, T, V), f32),
    )(emb2, tree_state, chosen_repr, chosen_sym, W_tok,
      b_tok.reshape(1, V))

    return opt_prob, tok_logit, new_tree

# --- scband reference (transcript-rebuilt; emitter-appended) ---
"""Pipeline reference for scband-neural-pda-76416058130517 (READ-ONLY COPY).

The authoritative reference and input builder live on the scoring server;
editing this copy changes nothing except your own understanding.
"""

import jax, jax.numpy as jnp
import numpy as np

B, O, T, V, D, H, S = 64, 32, 12, 10000, 256, 512, 64


def setup_inputs(seed: int = 0) -> dict:
    key = jax.random.key(seed)
    ks = jax.random.split(key, 16)
    s = 0.02
    inp = {}
    inp["lhs"] = jax.random.randint(ks[0], (B,), 0, V)
    inp["grammar_guide"] = jax.random.randint(ks[1], (B, O, 4, T), 0, 2)
    inp["step_symbols"] = jax.random.randint(ks[2], (B, T), 0, 2)
    inp["tree_state"] = jax.random.normal(ks[3], (B, H), jnp.float32)
    inp["context"] = jax.random.normal(ks[4], (B, S, H), jnp.float32)
    inp["emb_table"] = jax.random.normal(ks[5], (V, D), jnp.float32) * s
    inp["W_map"] = jax.random.normal(ks[6], (D, H), jnp.float32) * s
    inp["b_map"] = jnp.zeros((H,), jnp.float32)
    inp["W_ih"] = jax.random.normal(ks[7], (D + 3, 3 * H), jnp.float32) * s
    inp["W_hh"] = jax.random.normal(ks[8], (H, 3 * H), jnp.float32) * s
    inp["b_gru"] = jnp.zeros((3 * H,), jnp.float32)
    inp["W_s1"] = jax.random.normal(ks[9], (3 * H, H), jnp.float32) * s
    inp["b_s1"] = jnp.zeros((H,), jnp.float32)
    inp["W_s2"] = jax.random.normal(ks[10], (H, 1), jnp.float32) * s
    inp["W_upd"] = jax.random.normal(ks[11], (2 * H, H), jnp.float32) * s
    inp["b_upd"] = jnp.zeros((H,), jnp.float32)
    inp["W_tok"] = jax.random.normal(ks[12], (D + 2 * H, V), jnp.float32) * s
    inp["b_tok"] = jnp.zeros((V,), jnp.float32)
    return inp


def gru_cell(x, h, W_ih, W_hh, b):
    gi = x @ W_ih + b
    gh = h @ W_hh
    i_r, i_z, i_n = jnp.split(gi, 3, axis=-1)
    h_r, h_z, h_n = jnp.split(gh, 3, axis=-1)
    r = jax.nn.sigmoid(i_r + h_r)
    z = jax.nn.sigmoid(i_z + h_z)
    n = jnp.tanh(i_n + r * h_n)
    return (1.0 - z) * n + z * h


def reference(lhs, grammar_guide, step_symbols, tree_state, context, emb_table,
              W_map, b_map, W_ih, W_hh, b_gru, W_s1, b_s1, W_s2, W_upd, b_upd,
              W_tok, b_tok):
    sym = grammar_guide[:, :, 0, :]
    pg = grammar_guide[:, :, 1, :]
    fg = grammar_guide[:, :, 2, :]
    msk = grammar_guide[:, :, 3, :]
    # LHS embedding -> initial RNN state (lhs_symbol_mapper)
    lhs_emb = emb_table[lhs]
    rhs_init = jnp.tanh(lhs_emb @ W_map + b_map)
    h = jnp.broadcast_to(rhs_init[:, None, :], (B, O, H)).reshape(B * O, H)
    outs = []
    for t in range(T):
        st = sym[:, :, t].reshape(B * O)
        x = emb_table[st]
        aux = jnp.stack([
            pg[:, :, t].reshape(B * O),
            fg[:, :, t].reshape(B * O),
            (sym[:, :, t] == lhs[:, None]).reshape(B * O).astype(jnp.int32),
        ], axis=-1).astype(jnp.float32)
        x = jnp.concatenate([x, aux], axis=-1)
        h = gru_cell(x, h, W_ih, W_hh, b_gru)
        outs.append(h)
    rhs_out = jnp.stack(outs, axis=1)  # (B*O, T, H)
    # get_final_encoder_states
    last = jnp.clip(msk.reshape(B * O, T).sum(-1) - 1, 0, T - 1)
    opt_repr = rhs_out[jnp.arange(B * O), last].reshape(B, O, H)
    opt_mask = msk.sum(-1) > 0
    # query_attn_fn: attention of option reprs over source context
    scores = jnp.einsum('boh,bsh->bos', opt_repr, context) / jnp.sqrt(jnp.float32(H))
    attn = jax.nn.softmax(scores, axis=-1)
    qctx = jnp.einsum('bos,bsh->boh', attn, context)
    # rule_scorer + masked_softmax
    ts_exp = jnp.broadcast_to(tree_state[:, None, :], (B, O, H))
    feat = jnp.concatenate([opt_repr, qctx, ts_exp], axis=-1)
    logit = (jnp.tanh(feat @ W_s1 + b_s1) @ W_s2).squeeze(-1)
    logit = jnp.where(opt_mask, logit, -1e9)
    opt_prob = jax.nn.softmax(logit, axis=-1)
    # gold topological choice by matching step_symbols against grammar options
    full = ((sym == step_symbols[:, None, :]) | (msk == 0)).all(-1)
    partial = ((sym == step_symbols[:, None, :]) & (msk == 1)).sum(-1)
    choice = jnp.argmax(partial + full.astype(jnp.int32) * T, axis=-1)
    bidx = jnp.arange(B)
    chosen_sym = sym[bidx, choice]
    chosen_repr = opt_repr[bidx, choice]
    # post-expansion tree state update
    new_tree = jnp.tanh(jnp.concatenate([tree_state, chosen_repr], axis=-1) @ W_upd + b_upd)
    # exact token prediction
    tok_in = jnp.concatenate([
        emb_table[chosen_sym],
        jnp.broadcast_to(tree_state[:, None, :], (B, T, H)),
        jnp.broadcast_to(chosen_repr[:, None, :], (B, T, H)),
    ], axis=-1)
    tok_logit = tok_in @ W_tok + b_tok
    return opt_prob, tok_logit, new_tree

if __name__ == "__main__":
    import jax
    _d = setup_inputs()
    print(jax.jit(kernel)(*tuple(_d.values())))

</pallas_src>

<mosaic_0001>
#map = affine_map<(d0, d1) -> (0, 0)>
#map1 = affine_map<(d0, d1) -> (0)>
module attributes {stable_mosaic.version = 14 : i64} {
  func.func @_sc_gather_body(%arg0: i32, %arg1: i32, %arg2: memref<10000x256xf32, #tpu.memory_space<hbm>>, %arg3: memref<64xi32, #tpu.memory_space<hbm>>, %arg4: memref<64x256xf32, #tpu.memory_space<hbm>>, %arg5: memref<8xi32, #tpu.memory_space<vmem>>, %arg6: memref<8x256xf32, #tpu.memory_space<vmem>>, %arg7: memref<!tpu.dma_semaphore, #tpu.memory_space<semaphore_mem>>) attributes {dimension_semantics = [#tpu.dimension_semantics<core_parallel>, #tpu.dimension_semantics<subcore_parallel>], iteration_bounds = array<i64: 2, 16>, scalar_prefetch = 0 : i64, scratch_operands = 3 : i64, tpu.core_type = #tpu.core_type<sc_vector_subcore>, window_params = [{transform_indices = #map}, {transform_indices = #map1}, {transform_indices = #map}]} {
    %mul3A = arith.constant 2 : i32
    %mul3A_0 = arith.muli %arg1, %mul3A : i32
    %add3A = arith.addi %mul3A_0, %arg0 : i32
    %lt3A = arith.constant 8 : i32
    %lt3A_1 = arith.cmpi slt, %add3A, %lt3A : i32
    %convert_element_type3A = arith.extui %lt3A_1 : i1 to i32
    %cond3A = arith.constant 0 : i32
    %cond3A_2 = arith.cmpi ne, %convert_element_type3A, %cond3A : i32
    scf.if %cond3A_2 {
      %mul3A_3 = arith.constant 8 : i32
      %mul3A_4 = arith.muli %add3A, %mul3A_3 : i32
      "tpu.region"() ({
        %run_scoped3A = tpu.sem_alloc : memref<!tpu.dma_semaphore, #tpu.memory_space<semaphore_mem>>
        %dma_start3A_9 = tpu.memref_slice %arg3[%mul3A_4] : memref<64xi32, #tpu.memory_space<hbm>> -> memref<8xi32, #tpu.memory_space<hbm>>
        %dma_start3A_10 = tpu.memref_slice %arg3[%mul3A_4] : memref<64xi32, #tpu.memory_space<hbm>> -> memref<8xi32, #tpu.memory_space<hbm>>
        tpu.enqueue_dma source(%dma_start3A_10 : memref<8xi32, #tpu.memory_space<hbm>>) target(%arg5 : memref<8xi32, #tpu.memory_space<vmem>>) target_semaphore(%run_scoped3A : memref<!tpu.dma_semaphore, #tpu.memory_space<semaphore_mem>>)
        %dma_wait3A_11 = tpu.memref_slice %arg3[%mul3A_4] : memref<64xi32, #tpu.memory_space<hbm>> -> memref<8xi32, #tpu.memory_space<hbm>>
        %dma_wait3A_12 = tpu.memref_slice %arg3[%mul3A_4] : memref<64xi32, #tpu.memory_space<hbm>> -> memref<8xi32, #tpu.memory_space<hbm>>
        tpu.wait_dma2 semaphore(%run_scoped3A : memref<!tpu.dma_semaphore, #tpu.memory_space<semaphore_mem>>) src(%dma_wait3A_12 : memref<8xi32, #tpu.memory_space<hbm>>) dst(%arg5 : memref<8xi32, #tpu.memory_space<vmem>>)
        tpu.yield
      }) : () -> ()
      %dma_start3A = arith.constant 0 : i32
      %dma_start3A_5 = arith.constant 0 : i32
      %dma_start3A_6 = tpu.memref_slice %arg2[%dma_start3A, %dma_start3A_5] : memref<10000x256xf32, #tpu.memory_space<hbm>> -> memref<10000x256xf32, #tpu.memory_space<hbm>>
      tpu.enqueue_indirect_dma source(%dma_start3A_6 : memref<10000x256xf32, #tpu.memory_space<hbm>>) target(%arg6 : memref<8x256xf32, #tpu.memory_space<vmem>>) offsets(%arg5 : memref<8xi32, #tpu.memory_space<vmem>>) semaphore(%arg7 : memref<!tpu.dma_semaphore, #tpu.memory_space<semaphore_mem>>)
      %dma_wait3A = arith.constant 0 : i32
      %dma_wait3A_7 = arith.constant 0 : i32
      %dma_wait3A_8 = tpu.memref_slice %arg2[%dma_wait3A, %dma_wait3A_7] : memref<10000x256xf32, #tpu.memory_space<hbm>> -> memref<10000x256xf32, #tpu.memory_space<hbm>>
      tpu.wait_indirect_dma semaphore(%arg7 : memref<!tpu.dma_semaphore, #tpu.memory_space<semaphore_mem>>) src(%dma_wait3A_8 : memref<10000x256xf32, #tpu.memory_space<hbm>>) dst(%arg6 : memref<8x256xf32, #tpu.memory_space<vmem>>)
      "tpu.region"() ({
        %run_scoped3A = tpu.sem_alloc : memref<!tpu.dma_semaphore, #tpu.memory_space<semaphore_mem>>
        %dma_start3A_9 = arith.constant 0 : i32
        %dma_start3A_10 = tpu.memref_slice %arg4[%mul3A_4, %dma_start3A_9] : memref<64x256xf32, #tpu.memory_space<hbm>> -> memref<8x256xf32, #tpu.memory_space<hbm>>
        %dma_start3A_11 = arith.constant 0 : i32
        %dma_start3A_12 = tpu.memref_slice %arg4[%mul3A_4, %dma_start3A_11] : memref<64x256xf32, #tpu.memory_space<hbm>> -> memref<8x256xf32, #tpu.memory_space<hbm>>
        tpu.enqueue_dma source(%arg6 : memref<8x256xf32, #tpu.memory_space<vmem>>) target(%dma_start3A_12 : memref<8x256xf32, #tpu.memory_space<hbm>>) target_semaphore(%run_scoped3A : memref<!tpu.dma_semaphore, #tpu.memory_space<semaphore_mem>>)
        %dma_wait3A_13 = arith.constant 0 : i32
        %dma_wait3A_14 = tpu.memref_slice %arg4[%mul3A_4, %dma_wait3A_13] : memref<64x256xf32, #tpu.memory_space<hbm>> -> memref<8x256xf32, #tpu.memory_space<hbm>>
        %dma_wait3A_15 = arith.constant 0 : i32
        %dma_wait3A_16 = tpu.memref_slice %arg4[%mul3A_4, %dma_wait3A_15] : memref<64x256xf32, #tpu.memory_space<hbm>> -> memref<8x256xf32, #tpu.memory_space<hbm>>
        tpu.wait_dma2 semaphore(%run_scoped3A : memref<!tpu.dma_semaphore, #tpu.memory_space<semaphore_mem>>) src(%arg6 : memref<8x256xf32, #tpu.memory_space<vmem>>) dst(%dma_wait3A_16 : memref<8x256xf32, #tpu.memory_space<hbm>>)
        tpu.yield
      }) : () -> ()
    } else {
    }
    return
  }
}

module attributes {stable_mosaic.version = 14 : i64} {
  func.func @_init_kernel(%arg0: memref<64x256xf32, #tpu.memory_space<vmem>>, %arg1: memref<256x512xf32, #tpu.memory_space<vmem>>, %arg2: memref<1x512xf32, #tpu.memory_space<vmem>>, %arg3: memref<64x512xf32, #tpu.memory_space<vmem>>) attributes {dimension_semantics = [], scalar_prefetch = 0 : i64, scratch_operands = 0 : i64, tpu.core_type = #tpu.core_type<tc>} {
    %get3A = arith.constant 0 : index
    %get3A_0 = arith.constant 0 : index
    %get3A_1 = vector.load %arg0[%get3A, %get3A_0] : memref<64x256xf32, #tpu.memory_space<vmem>>, vector<64x256xf32>
    %get3A_2 = arith.constant 0 : index
    %get3A_3 = arith.constant 0 : index
    %get3A_4 = vector.load %arg1[%get3A_2, %get3A_3] : memref<256x512xf32, #tpu.memory_space<vmem>>, vector<256x512xf32>
    %dot_general3A = arith.constant dense<0.000000e+00> : vector<64x512xf32>
    %dot_general3A_5 = tpu.matmul %get3A_1, %get3A_4, %dot_general3A {dimension_numbers = #tpu.dot_dimension_numbers<[1], [0], [0], [1], [0, 0, 1, 1], [], []>, transpose_lhs_hint = false} : vector<64x256xf32>, vector<256x512xf32>, vector<64x512xf32> -> vector<64x512xf32>
    %get3A_6 = arith.constant 0 : index
    %get3A_7 = arith.constant 0 : index
    %get3A_8 = vector.load %arg2[%get3A_6, %get3A_7] : memref<1x512xf32, #tpu.memory_space<vmem>>, vector<1x512xf32>
    %add3A = vector.broadcast %get3A_8 : vector<1x512xf32> to vector<64x512xf32>
    %add3A_9 = arith.addf %dot_general3A_5, %add3A : vector<64x512xf32>
    %tanh3A = math.tanh %add3A_9 : vector<64x512xf32>
    %swap3A = arith.constant 0 : index
    %swap3A_10 = arith.constant 0 : index
    %swap3A_11 = vector.load %arg3[%swap3A, %swap3A_10] : memref<64x512xf32, #tpu.memory_space<vmem>>, vector<64x512xf32>
    tpu.vector_store %arg3[%swap3A, %swap3A_10], %tanh3A {strides = array<i32>} : memref<64x512xf32, #tpu.memory_space<vmem>>, vector<64x512xf32>,
    return
  }
}

module attributes {stable_mosaic.version = 14 : i64} {
  func.func @_gru_kernel(%arg0: memref<64x512xf32, #tpu.memory_space<vmem>>, %arg1: memref<12x2048x16xf32, #tpu.memory_space<vmem>>, %arg2: memref<2048x12xi32, #tpu.memory_space<vmem>>, %arg3: memref<2x256xf32, #tpu.memory_space<vmem>>, %arg4: memref<259x1536xf32, #tpu.memory_space<vmem>>, %arg5: memref<1x1536xf32, #tpu.memory_space<vmem>>, %arg6: memref<512x1536xf32, #tpu.memory_space<vmem>>, %arg7: memref<2048x512xf32, #tpu.memory_space<vmem>>) attributes {dimension_semantics = [], scalar_prefetch = 0 : i64, scratch_operands = 0 : i64, tpu.core_type = #tpu.core_type<tc>} {
    %get3A = arith.constant 0 : index
    %get3A_0 = arith.constant 0 : index
    %get3A_1 = vector.load %arg0[%get3A, %get3A_0] : memref<64x512xf32, #tpu.memory_space<vmem>>, vector<64x512xf32>
    %broadcast_in_dim3A = vector.shape_cast %get3A_1 : vector<64x512xf32> to vector<64x1x512xf32>
    %broadcast_in_dim3A_2 = vector.shape_cast %broadcast_in_dim3A : vector<64x1x512xf32> to vector<64x1x512xf32>
    %broadcast_in_dim3A_3 = vector.broadcast %broadcast_in_dim3A_2 : vector<64x1x512xf32> to vector<64x32x512xf32>
    %reshape3A = vector.shape_cast %broadcast_in_dim3A_3 : vector<64x32x512xf32> to vector<2048x512xf32>
    %get3A_4 = arith.constant 0 : index
    %get3A_5 = arith.constant 0 : index
    %get3A_6 = vector.load %arg3[%get3A_4, %get3A_5] : memref<2x256xf32, #tpu.memory_space<vmem>>, vector<2x256xf32>
    %get3A_7 = arith.constant 0 : index
    %get3A_8 = arith.constant 0 : index
    %get3A_9 = vector.load %arg4[%get3A_7, %get3A_8] : memref<259x1536xf32, #tpu.memory_space<vmem>>, vector<256x1536xf32>
    %dot_general3A = arith.constant dense<0.000000e+00> : vector<2x1536xf32>
    %dot_general3A_10 = tpu.matmul %get3A_6, %get3A_9, %dot_general3A {dimension_numbers = #tpu.dot_dimension_numbers<[1], [0], [0], [1], [0, 0, 1, 1], [], []>, transpose_lhs_hint = false} : vector<2x256xf32>, vector<256x1536xf32>, vector<2x1536xf32> -> vector<2x1536xf32>
    %iota3A = tpu.iota {dimensions = array<i32: 0>} : vector<16x1xi32>
    %and3A = arith.constant 1 : i32
    %and3A_11 = vector.broadcast %and3A : i32 to vector<16x1xi32>
    %and3A_12 = arith.andi %iota3A, %and3A_11 : vector<16x1xi32>
    %convert_element_type3A = arith.sitofp %and3A_12 : vector<16x1xi32> to vector<16x1xf32>
    %shift_right_arithmetic3A = arith.constant 1 : i32
    %shift_right_arithmetic3A_13 = vector.broadcast %shift_right_arithmetic3A : i32 to vector<16x1xi32>
    %shift_right_arithmetic3A_14 = arith.shrsi %iota3A, %shift_right_arithmetic3A_13 : vector<16x1xi32>
    %and3A_15 = arith.constant 1 : i32
    %and3A_16 = vector.broadcast %and3A_15 : i32 to vector<16x1xi32>
    %and3A_17 = arith.andi %shift_right_arithmetic3A_14, %and3A_16 : vector<16x1xi32>
    %convert_element_type3A_18 = arith.sitofp %and3A_17 : vector<16x1xi32> to vector<16x1xf32>
    %shift_right_arithmetic3A_19 = arith.constant 2 : i32
    %shift_right_arithmetic3A_20 = vector.broadcast %shift_right_arithmetic3A_19 : i32 to vector<16x1xi32>
    %shift_right_arithmetic3A_21 = arith.shrsi %iota3A, %shift_right_arithmetic3A_20 : vector<16x1xi32>
    %and3A_22 = arith.constant 1 : i32
    %and3A_23 = vector.broadcast %and3A_22 : i32 to vector<16x1xi32>
    %and3A_24 = arith.andi %shift_right_arithmetic3A_21, %and3A_23 : vector<16x1xi32>
    %convert_element_type3A_25 = arith.sitofp %and3A_24 : vector<16x1xi32> to vector<16x1xf32>
    %shift_right_arithmetic3A_26 = arith.constant 3 : i32
    %shift_right_arithmetic3A_27 = vector.broadcast %shift_right_arithmetic3A_26 : i32 to vector<16x1xi32>
    %shift_right_arithmetic3A_28 = arith.shrsi %iota3A, %shift_right_arithmetic3A_27 : vector<16x1xi32>
    %and3A_29 = arith.constant 1 : i32
    %and3A_30 = vector.broadcast %and3A_29 : i32 to vector<16x1xi32>
    %and3A_31 = arith.andi %shift_right_arithmetic3A_28, %and3A_30 : vector<16x1xi32>
    %convert_element_type3A_32 = arith.sitofp %and3A_31 : vector<16x1xi32> to vector<16x1xf32>
    %slice3A = vector.extract_strided_slice %dot_general3A_10 {offsets = [0, 0], sizes = [1, 1536], strides = [1, 1]} : vector<2x1536xf32> to vector<1x1536xf32>
    %slice3A_33 = vector.extract_strided_slice %dot_general3A_10 {offsets = [1, 0], sizes = [1, 1536], strides = [1, 1]} : vector<2x1536xf32> to vector<1x1536xf32>
    %slice3A_34 = vector.extract_strided_slice %dot_general3A_10 {offsets = [0, 0], sizes = [1, 1536], strides = [1, 1]} : vector<2x1536xf32> to vector<1x1536xf32>
    %sub3A = arith.subf %slice3A_33, %slice3A_34 : vector<1x1536xf32>
    %mul3A = vector.broadcast %convert_element_type3A : vector<16x1xf32> to vector<16x1536xf32>
    %mul3A_35 = vector.broadcast %sub3A : vector<1x1536xf32> to vector<16x1536xf32>
    %mul3A_36 = arith.mulf %mul3A, %mul3A_35 : vector<16x1536xf32>
    %add3A = vector.broadcast %slice3A : vector<1x1536xf32> to vector<16x1536xf32>
    %add3A_37 = arith.addf %add3A, %mul3A_36 : vector<16x1536xf32>
    %get3A_38 = arith.constant 256 : index
    %get3A_39 = arith.constant 0 : index
    %get3A_40 = vector.load %arg4[%get3A_38, %get3A_39] : memref<259x1536xf32, #tpu.memory_space<vmem>>, vector<1x1536xf32>
    %mul3A_41 = vector.broadcast %convert_element_type3A_18 : vector<16x1xf32> to vector<16x1536xf32>
    %mul3A_42 = vector.broadcast %get3A_40 : vector<1x1536xf32> to vector<16x1536xf32>
    %mul3A_43 = arith.mulf %mul3A_41, %mul3A_42 : vector<16x1536xf32>
    %add3A_44 = arith.addf %add3A_37, %mul3A_43 : vector<16x1536xf32>
    %get3A_45 = arith.constant 257 : index
    %get3A_46 = arith.constant 0 : index
    %get3A_47 = vector.load %arg4[%get3A_45, %get3A_46] : memref<259x1536xf32, #tpu.memory_space<vmem>>, vector<1x1536xf32>
    %mul3A_48 = vector.broadcast %convert_element_type3A_25 : vector<16x1xf32> to vector<16x1536xf32>
    %mul3A_49 = vector.broadcast %get3A_47 : vector<1x1536xf32> to vector<16x1536xf32>
    %mul3A_50 = arith.mulf %mul3A_48, %mul3A_49 : vector<16x1536xf32>
    %add3A_51 = arith.addf %add3A_44, %mul3A_50 : vector<16x1536xf32>
    %get3A_52 = arith.constant 258 : index
    %get3A_53 = arith.constant 0 : index
    %get3A_54 = vector.load %arg4[%get3A_52, %get3A_53] : memref<259x1536xf32, #tpu.memory_space<vmem>>, vector<1x1536xf32>
    %mul3A_55 = vector.broadcast %convert_element_type3A_32 : vector<16x1xf32> to vector<16x1536xf32>
    %mul3A_56 = vector.broadcast %get3A_54 : vector<1x1536xf32> to vector<16x1536xf32>
    %mul3A_57 = arith.mulf %mul3A_55, %mul3A_56 : vector<16x1536xf32>
    %add3A_58 = arith.addf %add3A_51, %mul3A_57 : vector<16x1536xf32>
    %get3A_59 = arith.constant 0 : index
    %get3A_60 = arith.constant 0 : index
    %get3A_61 = vector.load %arg5[%get3A_59, %get3A_60] : memref<1x1536xf32, #tpu.memory_space<vmem>>, vector<1x1536xf32>
    %add3A_62 = vector.broadcast %get3A_61 : vector<1x1536xf32> to vector<16x1536xf32>
    %add3A_63 = arith.addf %add3A_58, %add3A_62 : vector<16x1536xf32>
    %get3A_64 = arith.constant 0 : index
    %get3A_65 = arith.constant 0 : index
    %get3A_66 = vector.load %arg2[%get3A_64, %get3A_65] : memref<2048x12xi32, #tpu.memory_space<vmem>>, vector<2048x12xi32>
    %reduce_sum3A = arith.constant dense<0> : vector<2048xi32>
    %reduce_sum3A_67 = vector.multi_reduction <add>, %get3A_66, %reduce_sum3A [1] : vector<2048x12xi32> to vector<2048xi32>
    %broadcast_in_dim3A_68 = vector.shape_cast %reduce_sum3A_67 : vector<2048xi32> to vector<2048x1xi32>
    %sub3A_69 = arith.constant 1 : i32
    %sub3A_70 = vector.broadcast %sub3A_69 : i32 to vector<2048x1xi32>
    %sub3A_71 = arith.subi %broadcast_in_dim3A_68, %sub3A_70 : vector<2048x1xi32>
    %jit3A = arith.constant 0 : i32
    %jit3A_72 = arith.constant 11 : i32
    %max3A = vector.broadcast %jit3A : i32 to vector<2048x1xi32>
    %max3A_73 = arith.maxsi %max3A, %sub3A_71 : vector<2048x1xi32>
    %min3A = vector.broadcast %jit3A_72 : i32 to vector<2048x1xi32>
    %min3A_74 = arith.minsi %min3A, %max3A_73 : vector<2048x1xi32>
    %get3A_75 = arith.constant 0 : index
    %get3A_76 = arith.constant 0 : index
    %get3A_77 = vector.load %arg6[%get3A_75, %get3A_76] : memref<512x1536xf32, #tpu.memory_space<vmem>>, vector<512x1536xf32>
    %convert_element_type3A_78 = arith.truncf %get3A_77 : vector<512x1536xf32> to vector<512x1536xbf16>
    %convert_element_type3A_79 = arith.truncf %add3A_63 : vector<16x1536xf32> to vector<16x1536xbf16>
    %broadcast_in_dim3A_80 = arith.constant 0.000000e+00 : f32
    %broadcast_in_dim3A_81 = vector.broadcast %broadcast_in_dim3A_80 : f32 to vector<2048x512xf32>
    %scan3A = arith.constant 0 : i32
    %scan3A_82 = arith.constant 6 : i32
    %scan3A_83 = arith.addi %scan3A, %scan3A_82 : i32
    %scan3A_84 = arith.constant 1 : i32
    %scan3A_85:2 = scf.for %scan3A_89 = %scan3A to %scan3A_83 step %scan3A_84 iter_args(%scan3A_90 = %reshape3A, %scan3A_91 = %broadcast_in_dim3A_81) -> (vector<2048x512xf32>, vector<2048x512xf32>)  : i32 {
      %mul3A_92 = arith.constant 2 : i32
      %mul3A_93 = arith.muli %mul3A_92, %scan3A_89 : i32
      %get3A_94 = arith.index_cast %mul3A_93 : i32 to index
      %get3A_95 = arith.constant 0 : index
      %get3A_96 = arith.constant 0 : index
      %get3A_97 = vector.load %arg1[%get3A_94, %get3A_95, %get3A_96] : memref<12x2048x16xf32, #tpu.memory_space<vmem>>, vector<1x2048x16xf32>
      %reshape3A_98 = vector.shape_cast %get3A_97 : vector<1x2048x16xf32> to vector<2048x16xf32>
      %convert_element_type3A_99 = arith.truncf %reshape3A_98 : vector<2048x16xf32> to vector<2048x16xbf16>
      %dot_general3A_100 = arith.constant dense<0.000000e+00> : vector<2048x1536xf32>
      %dot_general3A_101 = tpu.matmul %convert_element_type3A_99, %convert_element_type3A_79, %dot_general3A_100 {dimension_numbers = #tpu.dot_dimension_numbers<[1], [0], [0], [1], [0, 0, 1, 1], [], []>, transpose_lhs_hint = false} : vector<2048x16xbf16>, vector<16x1536xbf16>, vector<2048x1536xf32> -> vector<2048x1536xf32>
      %convert_element_type3A_102 = arith.truncf %scan3A_90 : vector<2048x512xf32> to vector<2048x512xbf16>
      %dot_general3A_103 = arith.constant dense<0.000000e+00> : vector<2048x1536xf32>
      %dot_general3A_104 = tpu.matmul %convert_element_type3A_102, %convert_element_type3A_78, %dot_general3A_103 {dimension_numbers = #tpu.dot_dimension_numbers<[1], [0], [0], [1], [0, 0, 1, 1], [], []>, transpose_lhs_hint = false} : vector<2048x512xbf16>, vector<512x1536xbf16>, vector<2048x1536xf32> -> vector<2048x1536xf32>
      %slice3A_105 = vector.extract_strided_slice %dot_general3A_101 {offsets = [0, 0], sizes = [2048, 512], strides = [1, 1]} : vector<2048x1536xf32> to vector<2048x512xf32>
      %slice3A_106 = vector.extract_strided_slice %dot_general3A_104 {offsets = [0, 0], sizes = [2048, 512], strides = [1, 1]} : vector<2048x1536xf32> to vector<2048x512xf32>
      %add3A_107 = arith.addf %slice3A_105, %slice3A_106 : vector<2048x512xf32>
      %logistic3A = arith.negf %add3A_107 : vector<2048x512xf32>
      %logistic3A_108 = math.exp %logistic3A : vector<2048x512xf32>
      %logistic3A_109 = arith.constant 1.000000e+00 : f32
      %logistic3A_110 = vector.broadcast %logistic3A_109 : f32 to vector<2048x512xf32>
      %logistic3A_111 = arith.addf %logistic3A_110, %logistic3A_108 : vector<2048x512xf32>
      %logistic3A_112 = arith.divf %logistic3A_110, %logistic3A_111 : vector<2048x512xf32>
      %slice3A_113 = vector.extract_strided_slice %dot_general3A_101 {offsets = [0, 512], sizes = [2048, 512], strides = [1, 1]} : vector<2048x1536xf32> to vector<2048x512xf32>
      %slice3A_114 = vector.extract_strided_slice %dot_general3A_104 {offsets = [0, 512], sizes = [2048, 512], strides = [1, 1]} : vector<2048x1536xf32> to vector<2048x512xf32>
      %add3A_115 = arith.addf %slice3A_113, %slice3A_114 : vector<2048x512xf32>
      %logistic3A_116 = arith.negf %add3A_115 : vector<2048x512xf32>
      %logistic3A_117 = math.exp %logistic3A_116 : vector<2048x512xf32>
      %logistic3A_118 = arith.constant 1.000000e+00 : f32
      %logistic3A_119 = vector.broadcast %logistic3A_118 : f32 to vector<2048x512xf32>
      %logistic3A_120 = arith.addf %logistic3A_119, %logistic3A_117 : vector<2048x512xf32>
      %logistic3A_121 = arith.divf %logistic3A_119, %logistic3A_120 : vector<2048x512xf32>
      %slice3A_122 = vector.extract_strided_slice %dot_general3A_101 {offsets = [0, 1024], sizes = [2048, 512], strides = [1, 1]} : vector<2048x1536xf32> to vector<2048x512xf32>
      %slice3A_123 = vector.extract_strided_slice %dot_general3A_104 {offsets = [0, 1024], sizes = [2048, 512], strides = [1, 1]} : vector<2048x1536xf32> to vector<2048x512xf32>
      %mul3A_124 = arith.mulf %logistic3A_112, %slice3A_123 : vector<2048x512xf32>
      %add3A_125 = arith.addf %slice3A_122, %mul3A_124 : vector<2048x512xf32>
      %tanh3A = math.tanh %add3A_125 : vector<2048x512xf32>
      %sub3A_126 = arith.constant 1.000000e+00 : f32
      %sub3A_127 = vector.broadcast %sub3A_126 : f32 to vector<2048x512xf32>
      %sub3A_128 = arith.subf %sub3A_127, %logistic3A_121 : vector<2048x512xf32>
      %mul3A_129 = arith.mulf %sub3A_128, %tanh3A : vector<2048x512xf32>
      %mul3A_130 = arith.mulf %logistic3A_121, %scan3A_90 : vector<2048x512xf32>
      %add3A_131 = arith.addf %mul3A_129, %mul3A_130 : vector<2048x512xf32>
      %eq3A = vector.broadcast %mul3A_93 : i32 to vector<2048x1xi32>
      %eq3A_132 = arith.cmpi eq, %min3A_74, %eq3A : vector<2048x1xi32>
      %broadcast_in_dim3A_133 = vector.shape_cast %eq3A_132 : vector<2048x1xi1> to vector<2048x1xi1>
      %broadcast_in_dim3A_134 = vector.broadcast %broadcast_in_dim3A_133 : vector<2048x1xi1> to vector<2048x512xi1>
      %select_n3A = arith.select %broadcast_in_dim3A_134, %add3A_131, %scan3A_91 : vector<2048x512xi1>, vector<2048x512xf32>
      %mul3A_135 = arith.constant 2 : i32
      %mul3A_136 = arith.muli %mul3A_135, %scan3A_89 : i32
      %add3A_137 = arith.constant 1 : i32
      %add3A_138 = arith.addi %mul3A_136, %add3A_137 : i32
      %get3A_139 = arith.index_cast %add3A_138 : i32 to index
      %get3A_140 = arith.constant 0 : index
      %get3A_141 = arith.constant 0 : index
      %get3A_142 = vector.load %arg1[%get3A_139, %get3A_140, %get3A_141] : memref<12x2048x16xf32, #tpu.memory_space<vmem>>, vector<1x2048x16xf32>
      %reshape3A_143 = vector.shape_cast %get3A_142 : vector<1x2048x16xf32> to vector<2048x16xf32>
      %convert_element_type3A_144 = arith.truncf %reshape3A_143 : vector<2048x16xf32> to vector<2048x16xbf16>
      %dot_general3A_145 = arith.constant dense<0.000000e+00> : vector<2048x1536xf32>
      %dot_general3A_146 = tpu.matmul %convert_element_type3A_144, %convert_element_type3A_79, %dot_general3A_145 {dimension_numbers = #tpu.dot_dimension_numbers<[1], [0], [0], [1], [0, 0, 1, 1], [], []>, transpose_lhs_hint = false} : vector<2048x16xbf16>, vector<16x1536xbf16>, vector<2048x1536xf32> -> vector<2048x1536xf32>
      %convert_element_type3A_147 = arith.truncf %add3A_131 : vector<2048x512xf32> to vector<2048x512xbf16>
      %dot_general3A_148 = arith.constant dense<0.000000e+00> : vector<2048x1536xf32>
      %dot_general3A_149 = tpu.matmul %convert_element_type3A_147, %convert_element_type3A_78, %dot_general3A_148 {dimension_numbers = #tpu.dot_dimension_numbers<[1], [0], [0], [1], [0, 0, 1, 1], [], []>, transpose_lhs_hint = false} : vector<2048x512xbf16>, vector<512x1536xbf16>, vector<2048x1536xf32> -> vector<2048x1536xf32>
      %slice3A_150 = vector.extract_strided_slice %dot_general3A_146 {offsets = [0, 0], sizes = [2048, 512], strides = [1, 1]} : vector<2048x1536xf32> to vector<2048x512xf32>
      %slice3A_151 = vector.extract_strided_slice %dot_general3A_149 {offsets = [0, 0], sizes = [2048, 512], strides = [1, 1]} : vector<2048x1536xf32> to vector<2048x512xf32>
      %add3A_152 = arith.addf %slice3A_150, %slice3A_151 : vector<2048x512xf32>
      %logistic3A_153 = arith.negf %add3A_152 : vector<2048x512xf32>
      %logistic3A_154 = math.exp %logistic3A_153 : vector<2048x512xf32>
      %logistic3A_155 = arith.constant 1.000000e+00 : f32
      %logistic3A_156 = vector.broadcast %logistic3A_155 : f32 to vector<2048x512xf32>
      %logistic3A_157 = arith.addf %logistic3A_156, %logistic3A_154 : vector<2048x512xf32>
      %logistic3A_158 = arith.divf %logistic3A_156, %logistic3A_157 : vector<2048x512xf32>
      %slice3A_159 = vector.extract_strided_slice %dot_general3A_146 {offsets = [0, 512], sizes = [2048, 512], strides = [1, 1]} : vector<2048x1536xf32> to vector<2048x512xf32>
      %slice3A_160 = vector.extract_strided_slice %dot_general3A_149 {offsets = [0, 512], sizes = [2048, 512], strides = [1, 1]} : vector<2048x1536xf32> to vector<2048x512xf32>
      %add3A_161 = arith.addf %slice3A_159, %slice3A_160 : vector<2048x512xf32>
      %logistic3A_162 = arith.negf %add3A_161 : vector<2048x512xf32>
      %logistic3A_163 = math.exp %logistic3A_162 : vector<2048x512xf32>
      %logistic3A_164 = arith.constant 1.000000e+00 : f32
      %logistic3A_165 = vector.broadcast %logistic3A_164 : f32 to vector<2048x512xf32>
      %logistic3A_166 = arith.addf %logistic3A_165, %logistic3A_163 : vector<2048x512xf32>
      %logistic3A_167 = arith.divf %logistic3A_165, %logistic3A_166 : vector<2048x512xf32>
      %slice3A_168 = vector.extract_strided_slice %dot_general3A_146 {offsets = [0, 1024], sizes = [2048, 512], strides = [1, 1]} : vector<2048x1536xf32> to vector<2048x512xf32>
      %slice3A_169 = vector.extract_strided_slice %dot_general3A_149 {offsets = [0, 1024], sizes = [2048, 512], strides = [1, 1]} : vector<2048x1536xf32> to vector<2048x512xf32>
      %mul3A_170 = arith.mulf %logistic3A_158, %slice3A_169 : vector<2048x512xf32>
      %add3A_171 = arith.addf %slice3A_168, %mul3A_170 : vector<2048x512xf32>
      %tanh3A_172 = math.tanh %add3A_171 : vector<2048x512xf32>
      %sub3A_173 = arith.constant 1.000000e+00 : f32
      %sub3A_174 = vector.broadcast %sub3A_173 : f32 to vector<2048x512xf32>
      %sub3A_175 = arith.subf %sub3A_174, %logistic3A_167 : vector<2048x512xf32>
      %mul3A_176 = arith.mulf %sub3A_175, %tanh3A_172 : vector<2048x512xf32>
      %mul3A_177 = arith.mulf %logistic3A_167, %add3A_131 : vector<2048x512xf32>
      %add3A_178 = arith.addf %mul3A_176, %mul3A_177 : vector<2048x512xf32>
      %eq3A_179 = vector.broadcast %add3A_138 : i32 to vector<2048x1xi32>
      %eq3A_180 = arith.cmpi eq, %min3A_74, %eq3A_179 : vector<2048x1xi32>
      %broadcast_in_dim3A_181 = vector.shape_cast %eq3A_180 : vector<2048x1xi1> to vector<2048x1xi1>
      %broadcast_in_dim3A_182 = vector.broadcast %broadcast_in_dim3A_181 : vector<2048x1xi1> to vector<2048x512xi1>
      %select_n3A_183 = arith.select %broadcast_in_dim3A_182, %add3A_178, %select_n3A : vector<2048x512xi1>, vector<2048x512xf32>
      scf.yield %add3A_178, %select_n3A_183 : vector<2048x512xf32>, vector<2048x512xf32>
    }
    %scan3A_86 = arith.constant 6 : i32
    %swap3A = arith.constant 0 : index
    %swap3A_87 = arith.constant 0 : index
    %swap3A_88 = vector.load %arg7[%swap3A, %swap3A_87] : memref<2048x512xf32, #tpu.memory_space<vmem>>, vector<2048x512xf32>
    tpu.vector_store %arg7[%swap3A, %swap3A_87], %scan3A_85#1 {strides = array<i32>} : memref<2048x512xf32, #tpu.memory_space<vmem>>, vector<2048x512xf32>,
    return
  }
}

module attributes {stable_mosaic.version = 14 : i64} {
  func.func @_attn_kernel(%arg0: memref<2048x512xf32, #tpu.memory_space<vmem>>, %arg1: memref<4096x512xf32, #tpu.memory_space<vmem>>, %arg2: memref<64x512xf32, #tpu.memory_space<vmem>>, %arg3: memref<2048x12xi32, #tpu.memory_space<vmem>>, %arg4: memref<2048x12xi32, #tpu.memory_space<vmem>>, %arg5: memref<2048x12xi32, #tpu.memory_space<vmem>>, %arg6: memref<1536x512xf32, #tpu.memory_space<vmem>>, %arg7: memref<1x512xf32, #tpu.memory_space<vmem>>, %arg8: memref<512x1xf32, #tpu.memory_space<vmem>>, %arg9: memref<1024x512xf32, #tpu.memory_space<vmem>>, %arg10: memref<1x512xf32, #tpu.memory_space<vmem>>, %arg11: memref<64x32xf32, #tpu.memory_space<vmem>>, %arg12: memref<64x512xf32, #tpu.memory_space<vmem>>, %arg13: memref<64x512xf32, #tpu.memory_space<vmem>>, %arg14: memref<64x12xf32, #tpu.memory_space<vmem>>, %arg15: memref<2048x512xf32, #tpu.memory_space<vmem>>) attributes {dimension_semantics = [], scalar_prefetch = 0 : i64, scratch_operands = 1 : i64, tpu.core_type = #tpu.core_type<tc>} {
    %sqrt3A = arith.constant 5.120000e+02 : f32
    %sqrt3A_0 = math.sqrt %sqrt3A : f32
    %div3A = arith.constant 1.000000e+00 : f32
    %div3A_1 = arith.divf %div3A, %sqrt3A_0 : f32
    %iota3A = tpu.iota {dimensions = array<i32: 0>} : vector<256x512xi32>
    %jit3A = arith.constant 32 : i32
    %div3A_2 = vector.broadcast %jit3A : i32 to vector<256x512xi32>
    %div3A_3 = arith.divsi %iota3A, %div3A_2 : vector<256x512xi32>
    %sign3A = arith.constant 0 : i32
    %sign3A_4 = vector.broadcast %sign3A : i32 to vector<256x512xi32>
    %sign3A_5 = arith.cmpi sgt, %iota3A, %sign3A_4 : vector<256x512xi32>
    %sign3A_6 = arith.extui %sign3A_5 : vector<256x512xi1> to vector<256x512xi32>
    %sign3A_7 = arith.constant 0 : i32
    %sign3A_8 = vector.broadcast %sign3A_7 : i32 to vector<256x512xi32>
    %sign3A_9 = arith.cmpi slt, %iota3A, %sign3A_8 : vector<256x512xi32>
    %sign3A_10 = arith.extui %sign3A_9 : vector<256x512xi1> to vector<256x512xi32>
    %sign3A_11 = arith.subi %sign3A_6, %sign3A_10 : vector<256x512xi32>
    %sign3A_12 = arith.constant 0 : i32
    %sign3A_13 = arith.cmpi sgt, %jit3A, %sign3A_12 : i32
    %sign3A_14 = arith.extui %sign3A_13 : i1 to i32
    %sign3A_15 = arith.constant 0 : i32
    %sign3A_16 = arith.cmpi slt, %jit3A, %sign3A_15 : i32
    %sign3A_17 = arith.extui %sign3A_16 : i1 to i32
    %sign3A_18 = arith.subi %sign3A_14, %sign3A_17 : i32
    %ne3A = vector.broadcast %sign3A_18 : i32 to vector<256x512xi32>
    %ne3A_19 = arith.cmpi ne, %sign3A_11, %ne3A : vector<256x512xi32>
    %rem3A = vector.broadcast %jit3A : i32 to vector<256x512xi32>
    %rem3A_20 = arith.remsi %iota3A, %rem3A : vector<256x512xi32>
    %ne3A_21 = arith.constant 0 : i32
    %ne3A_22 = vector.broadcast %ne3A_21 : i32 to vector<256x512xi32>
    %ne3A_23 = arith.cmpi ne, %rem3A_20, %ne3A_22 : vector<256x512xi32>
    %and3A = arith.andi %ne3A_19, %ne3A_23 : vector<256x512xi1>
    %sub3A = arith.constant 1 : i32
    %sub3A_24 = vector.broadcast %sub3A : i32 to vector<256x512xi32>
    %sub3A_25 = arith.subi %div3A_3, %sub3A_24 : vector<256x512xi32>
    %select_n3A = arith.select %and3A, %sub3A_25, %div3A_3 : vector<256x512xi1>, vector<256x512xi32>
    %iota3A_26 = tpu.iota {dimensions = array<i32: 1>} : vector<256x512xi32>
    %jit3A_27 = arith.constant 64 : i32
    %div3A_28 = vector.broadcast %jit3A_27 : i32 to vector<256x512xi32>
    %div3A_29 = arith.divsi %iota3A_26, %div3A_28 : vector<256x512xi32>
    %sign3A_30 = arith.constant 0 : i32
    %sign3A_31 = vector.broadcast %sign3A_30 : i32 to vector<256x512xi32>
    %sign3A_32 = arith.cmpi sgt, %iota3A_26, %sign3A_31 : vector<256x512xi32>
    %sign3A_33 = arith.extui %sign3A_32 : vector<256x512xi1> to vector<256x512xi32>
    %sign3A_34 = arith.constant 0 : i32
    %sign3A_35 = vector.broadcast %sign3A_34 : i32 to vector<256x512xi32>
    %sign3A_36 = arith.cmpi slt, %iota3A_26, %sign3A_35 : vector<256x512xi32>
    %sign3A_37 = arith.extui %sign3A_36 : vector<256x512xi1> to vector<256x512xi32>
    %sign3A_38 = arith.subi %sign3A_33, %sign3A_37 : vector<256x512xi32>
    %sign3A_39 = arith.constant 0 : i32
    %sign3A_40 = arith.cmpi sgt, %jit3A_27, %sign3A_39 : i32
    %sign3A_41 = arith.extui %sign3A_40 : i1 to i32
    %sign3A_42 = arith.constant 0 : i32
    %sign3A_43 = arith.cmpi slt, %jit3A_27, %sign3A_42 : i32
    %sign3A_44 = arith.extui %sign3A_43 : i1 to i32
    %sign3A_45 = arith.subi %sign3A_41, %sign3A_44 : i32
    %ne3A_46 = vector.broadcast %sign3A_45 : i32 to vector<256x512xi32>
    %ne3A_47 = arith.cmpi ne, %sign3A_38, %ne3A_46 : vector<256x512xi32>
    %rem3A_48 = vector.broadcast %jit3A_27 : i32 to vector<256x512xi32>
    %rem3A_49 = arith.remsi %iota3A_26, %rem3A_48 : vector<256x512xi32>
    %ne3A_50 = arith.constant 0 : i32
    %ne3A_51 = vector.broadcast %ne3A_50 : i32 to vector<256x512xi32>
    %ne3A_52 = arith.cmpi ne, %rem3A_49, %ne3A_51 : vector<256x512xi32>
    %and3A_53 = arith.andi %ne3A_47, %ne3A_52 : vector<256x512xi1>
    %sub3A_54 = arith.constant 1 : i32
    %sub3A_55 = vector.broadcast %sub3A_54 : i32 to vector<256x512xi32>
    %sub3A_56 = arith.subi %div3A_29, %sub3A_55 : vector<256x512xi32>
    %select_n3A_57 = arith.select %and3A_53, %sub3A_56, %div3A_29 : vector<256x512xi1>, vector<256x512xi32>
    %eq3A = arith.cmpi eq, %select_n3A, %select_n3A_57 : vector<256x512xi32>
    %jit3A_58 = arith.constant 0.000000e+00 : f32
    %jit3A_59 = arith.constant -1.000000e+30 : f32
    %broadcast_in_dim3A = vector.broadcast %jit3A_58 : f32 to vector<256x512xf32>
    %broadcast_in_dim3A_60 = vector.broadcast %jit3A_59 : f32 to vector<256x512xf32>
    %select_n3A_61 = arith.select %eq3A, %broadcast_in_dim3A, %broadcast_in_dim3A_60 : vector<256x512xi1>, vector<256x512xf32>
    %scan3A = arith.constant 0 : i32
    %scan3A_62 = arith.constant 8 : i32
    %scan3A_63 = arith.addi %scan3A, %scan3A_62 : i32
    %scan3A_64 = arith.constant 1 : i32
    scf.for %scan3A_338 = %scan3A to %scan3A_63 step %scan3A_64  : i32 {
      %mul3A_339 = arith.constant 256 : i32
      %mul3A_340 = arith.muli %scan3A_338, %mul3A_339 : i32
      %get3A_341 = arith.index_cast %mul3A_340 : i32 to index
      %get3A_342 = arith.constant 0 : index
      %get3A_343 = vector.load %arg0[%get3A_341, %get3A_342] : memref<2048x512xf32, #tpu.memory_space<vmem>>, vector<256x512xf32>
      %mul3A_344 = arith.constant 512 : i32
      %mul3A_345 = arith.muli %scan3A_338, %mul3A_344 : i32
      %get3A_346 = arith.index_cast %mul3A_345 : i32 to index
      %get3A_347 = arith.constant 0 : index
      %get3A_348 = vector.load %arg1[%get3A_346, %get3A_347] : memref<4096x512xf32, #tpu.memory_space<vmem>>, vector<512x512xf32>
      %transpose3A = tpu.transpose %get3A_348, [1, 0] : vector<512x512xf32> -> vector<512x512xf32>
      %dot_general3A_349 = arith.constant dense<0.000000e+00> : vector<256x512xf32>
      %dot_general3A_350 = tpu.matmul %get3A_343, %transpose3A, %dot_general3A_349 {dimension_numbers = #tpu.dot_dimension_numbers<[1], [0], [0], [1], [0, 0, 1, 1], [], []>, transpose_lhs_hint = false} : vector<256x512xf32>, vector<512x512xf32>, vector<256x512xf32> -> vector<256x512xf32>
      %mul3A_351 = vector.broadcast %div3A_1 : f32 to vector<256x512xf32>
      %mul3A_352 = arith.mulf %dot_general3A_350, %mul3A_351 : vector<256x512xf32>
      %add3A_353 = arith.addf %mul3A_352, %select_n3A_61 : vector<256x512xf32>
      %reduce_max3A_354 = arith.constant dense<0xFF800000> : vector<256xf32>
      %reduce_max3A_355 = vector.multi_reduction <maximumf>, %add3A_353, %reduce_max3A_354 [1] : vector<256x512xf32> to vector<256xf32>
      %broadcast_in_dim3A_356 = vector.shape_cast %reduce_max3A_355 : vector<256xf32> to vector<256x1xf32>
      %sub3A_357 = vector.broadcast %broadcast_in_dim3A_356 : vector<256x1xf32> to vector<256x512xf32>
      %sub3A_358 = arith.subf %add3A_353, %sub3A_357 : vector<256x512xf32>
      %exp3A_359 = math.exp %sub3A_358 : vector<256x512xf32>
      %reduce_sum3A_360 = arith.constant dense<0.000000e+00> : vector<256xf32>
      %reduce_sum3A_361 = vector.multi_reduction <add>, %exp3A_359, %reduce_sum3A_360 [1] : vector<256x512xf32> to vector<256xf32>
      %broadcast_in_dim3A_362 = vector.shape_cast %reduce_sum3A_361 : vector<256xf32> to vector<256x1xf32>
      %div3A_363 = vector.broadcast %broadcast_in_dim3A_362 : vector<256x1xf32> to vector<256x512xf32>
      %div3A_364 = arith.divf %exp3A_359, %div3A_363 : vector<256x512xf32>
      %dot_general3A_365 = arith.constant dense<0.000000e+00> : vector<256x512xf32>
      %dot_general3A_366 = tpu.matmul %div3A_364, %get3A_348, %dot_general3A_365 {dimension_numbers = #tpu.dot_dimension_numbers<[1], [0], [0], [1], [0, 0, 1, 1], [], []>, transpose_lhs_hint = false} : vector<256x512xf32>, vector<512x512xf32>, vector<256x512xf32> -> vector<256x512xf32>
      %mul3A_367 = arith.constant 256 : i32
      %mul3A_368 = arith.muli %scan3A_338, %mul3A_367 : i32
      %swap3A_369 = arith.index_cast %mul3A_368 : i32 to index
      %swap3A_370 = arith.constant 0 : index
      %swap3A_371 = vector.load %arg15[%swap3A_369, %swap3A_370] : memref<2048x512xf32, #tpu.memory_space<vmem>>, vector<256x512xf32>
      tpu.vector_store %arg15[%swap3A_369, %swap3A_370], %dot_general3A_366 {strides = array<i32>} : memref<2048x512xf32, #tpu.memory_space<vmem>>, vector<256x512xf32>,
    }
    %scan3A_65 = arith.constant 8 : i32
    %get3A = arith.constant 0 : index
    %get3A_66 = arith.constant 0 : index
    %get3A_67 = vector.load %arg2[%get3A, %get3A_66] : memref<64x512xf32, #tpu.memory_space<vmem>>, vector<64x512xf32>
    %get3A_68 = arith.constant 1024 : index
    %get3A_69 = arith.constant 0 : index
    %get3A_70 = vector.load %arg6[%get3A_68, %get3A_69] : memref<1536x512xf32, #tpu.memory_space<vmem>>, vector<512x512xf32>
    %dot_general3A = arith.constant dense<0.000000e+00> : vector<64x512xf32>
    %dot_general3A_71 = tpu.matmul %get3A_67, %get3A_70, %dot_general3A {dimension_numbers = #tpu.dot_dimension_numbers<[1], [0], [0], [1], [0, 0, 1, 1], [], []>, transpose_lhs_hint = false} : vector<64x512xf32>, vector<512x512xf32>, vector<64x512xf32> -> vector<64x512xf32>
    %broadcast_in_dim3A_72 = vector.shape_cast %dot_general3A_71 : vector<64x512xf32> to vector<64x1x512xf32>
    %broadcast_in_dim3A_73 = vector.shape_cast %broadcast_in_dim3A_72 : vector<64x1x512xf32> to vector<64x1x512xf32>
    %broadcast_in_dim3A_74 = vector.broadcast %broadcast_in_dim3A_73 : vector<64x1x512xf32> to vector<64x32x512xf32>
    %reshape3A = vector.shape_cast %broadcast_in_dim3A_74 : vector<64x32x512xf32> to vector<2048x512xf32>
    %get3A_75 = arith.constant 0 : index
    %get3A_76 = arith.constant 0 : index
    %get3A_77 = vector.load %arg0[%get3A_75, %get3A_76] : memref<2048x512xf32, #tpu.memory_space<vmem>>, vector<2048x512xf32>
    %get3A_78 = arith.constant 0 : index
    %get3A_79 = arith.constant 0 : index
    %get3A_80 = vector.load %arg6[%get3A_78, %get3A_79] : memref<1536x512xf32, #tpu.memory_space<vmem>>, vector<512x512xf32>
    %dot_general3A_81 = arith.constant dense<0.000000e+00> : vector<2048x512xf32>
    %dot_general3A_82 = tpu.matmul %get3A_77, %get3A_80, %dot_general3A_81 {dimension_numbers = #tpu.dot_dimension_numbers<[1], [0], [0], [1], [0, 0, 1, 1], [], []>, transpose_lhs_hint = false} : vector<2048x512xf32>, vector<512x512xf32>, vector<2048x512xf32> -> vector<2048x512xf32>
    %get3A_83 = arith.constant 0 : index
    %get3A_84 = arith.constant 0 : index
    %get3A_85 = vector.load %arg15[%get3A_83, %get3A_84] : memref<2048x512xf32, #tpu.memory_space<vmem>>, vector<2048x512xf32>
    %get3A_86 = arith.constant 512 : index
    %get3A_87 = arith.constant 0 : index
    %get3A_88 = vector.load %arg6[%get3A_86, %get3A_87] : memref<1536x512xf32, #tpu.memory_space<vmem>>, vector<512x512xf32>
    %dot_general3A_89 = arith.constant dense<0.000000e+00> : vector<2048x512xf32>
    %dot_general3A_90 = tpu.matmul %get3A_85, %get3A_88, %dot_general3A_89 {dimension_numbers = #tpu.dot_dimension_numbers<[1], [0], [0], [1], [0, 0, 1, 1], [], []>, transpose_lhs_hint = false} : vector<2048x512xf32>, vector<512x512xf32>, vector<2048x512xf32> -> vector<2048x512xf32>
    %add3A = arith.addf %dot_general3A_82, %dot_general3A_90 : vector<2048x512xf32>
    %add3A_91 = arith.addf %add3A, %reshape3A : vector<2048x512xf32>
    %get3A_92 = arith.constant 0 : index
    %get3A_93 = arith.constant 0 : index
    %get3A_94 = vector.load %arg7[%get3A_92, %get3A_93] : memref<1x512xf32, #tpu.memory_space<vmem>>, vector<1x512xf32>
    %add3A_95 = vector.broadcast %get3A_94 : vector<1x512xf32> to vector<2048x512xf32>
    %add3A_96 = arith.addf %add3A_91, %add3A_95 : vector<2048x512xf32>
    %tanh3A = math.tanh %add3A_96 : vector<2048x512xf32>
    %get3A_97 = arith.constant 0 : index
    %get3A_98 = arith.constant 0 : index
    %get3A_99 = vector.load %arg8[%get3A_97, %get3A_98] : memref<512x1xf32, #tpu.memory_space<vmem>>, vector<512x1xf32>
    %dot_general3A_100 = arith.constant dense<0.000000e+00> : vector<2048x1xf32>
    %dot_general3A_101 = tpu.matmul %tanh3A, %get3A_99, %dot_general3A_100 {dimension_numbers = #tpu.dot_dimension_numbers<[1], [0], [0], [1], [0, 0, 1, 1], [], []>, transpose_lhs_hint = false} : vector<2048x512xf32>, vector<512x1xf32>, vector<2048x1xf32> -> vector<2048x1xf32>
    %get3A_102 = arith.constant 0 : index
    %get3A_103 = arith.constant 0 : index
    %get3A_104 = vector.load %arg4[%get3A_102, %get3A_103] : memref<2048x12xi32, #tpu.memory_space<vmem>>, vector<2048x12xi32>
    %reduce_sum3A = arith.constant dense<0> : vector<2048xi32>
    %reduce_sum3A_105 = vector.multi_reduction <add>, %get3A_104, %reduce_sum3A [1] : vector<2048x12xi32> to vector<2048xi32>
    %broadcast_in_dim3A_106 = vector.shape_cast %reduce_sum3A_105 : vector<2048xi32> to vector<2048x1xi32>
    %gt3A = arith.constant 0 : i32
    %gt3A_107 = vector.broadcast %gt3A : i32 to vector<2048x1xi32>
    %gt3A_108 = arith.cmpi sgt, %broadcast_in_dim3A_106, %gt3A_107 : vector<2048x1xi32>
    %jit3A_109 = arith.constant -1.000000e+09 : f32
    %broadcast_in_dim3A_110 = vector.broadcast %jit3A_109 : f32 to vector<2048x1xf32>
    %select_n3A_111 = arith.select %gt3A_108, %dot_general3A_101, %broadcast_in_dim3A_110 : vector<2048x1xi1>, vector<2048x1xf32>
    %iota3A_112 = tpu.iota {dimensions = array<i32: 0>} : vector<64x2048xi32>
    %iota3A_113 = tpu.iota {dimensions = array<i32: 1>} : vector<64x2048xi32>
    %jit3A_114 = arith.constant 32 : i32
    %div3A_115 = vector.broadcast %jit3A_114 : i32 to vector<64x2048xi32>
    %div3A_116 = arith.divsi %iota3A_113, %div3A_115 : vector<64x2048xi32>
    %sign3A_117 = arith.constant 0 : i32
    %sign3A_118 = vector.broadcast %sign3A_117 : i32 to vector<64x2048xi32>
    %sign3A_119 = arith.cmpi sgt, %iota3A_113, %sign3A_118 : vector<64x2048xi32>
    %sign3A_120 = arith.extui %sign3A_119 : vector<64x2048xi1> to vector<64x2048xi32>
    %sign3A_121 = arith.constant 0 : i32
    %sign3A_122 = vector.broadcast %sign3A_121 : i32 to vector<64x2048xi32>
    %sign3A_123 = arith.cmpi slt, %iota3A_113, %sign3A_122 : vector<64x2048xi32>
    %sign3A_124 = arith.extui %sign3A_123 : vector<64x2048xi1> to vector<64x2048xi32>
    %sign3A_125 = arith.subi %sign3A_120, %sign3A_124 : vector<64x2048xi32>
    %sign3A_126 = arith.constant 0 : i32
    %sign3A_127 = arith.cmpi sgt, %jit3A_114, %sign3A_126 : i32
    %sign3A_128 = arith.extui %sign3A_127 : i1 to i32
    %sign3A_129 = arith.constant 0 : i32
    %sign3A_130 = arith.cmpi slt, %jit3A_114, %sign3A_129 : i32
    %sign3A_131 = arith.extui %sign3A_130 : i1 to i32
    %sign3A_132 = arith.subi %sign3A_128, %sign3A_131 : i32
    %ne3A_133 = vector.broadcast %sign3A_132 : i32 to vector<64x2048xi32>
    %ne3A_134 = arith.cmpi ne, %sign3A_125, %ne3A_133 : vector<64x2048xi32>
    %rem3A_135 = vector.broadcast %jit3A_114 : i32 to vector<64x2048xi32>
    %rem3A_136 = arith.remsi %iota3A_113, %rem3A_135 : vector<64x2048xi32>
    %ne3A_137 = arith.constant 0 : i32
    %ne3A_138 = vector.broadcast %ne3A_137 : i32 to vector<64x2048xi32>
    %ne3A_139 = arith.cmpi ne, %rem3A_136, %ne3A_138 : vector<64x2048xi32>
    %and3A_140 = arith.andi %ne3A_134, %ne3A_139 : vector<64x2048xi1>
    %sub3A_141 = arith.constant 1 : i32
    %sub3A_142 = vector.broadcast %sub3A_141 : i32 to vector<64x2048xi32>
    %sub3A_143 = arith.subi %div3A_116, %sub3A_142 : vector<64x2048xi32>
    %select_n3A_144 = arith.select %and3A_140, %sub3A_143, %div3A_116 : vector<64x2048xi1>, vector<64x2048xi32>
    %eq3A_145 = arith.cmpi eq, %select_n3A_144, %iota3A_112 : vector<64x2048xi32>
    %convert_element_type3A = arith.extui %eq3A_145 : vector<64x2048xi1> to vector<64x2048xi32>
    %convert_element_type3A_146 = arith.sitofp %convert_element_type3A : vector<64x2048xi32> to vector<64x2048xf32>
    %iota3A_147 = tpu.iota {dimensions = array<i32: 1>} : vector<2048x32xi32>
    %iota3A_148 = tpu.iota {dimensions = array<i32: 0>} : vector<2048x32xi32>
    %jit3A_149 = arith.constant 32 : i32
    %eq3A_150 = arith.constant 0 : i32
    %eq3A_151 = arith.cmpi eq, %jit3A_149, %eq3A_150 : i32
    %jit3A_152 = arith.constant 1 : i32
    %select_n3A_153 = arith.select %eq3A_151, %jit3A_152, %jit3A_149 : i32
    %rem3A_154 = vector.broadcast %select_n3A_153 : i32 to vector<2048x32xi32>
    %rem3A_155 = arith.remsi %iota3A_148, %rem3A_154 : vector<2048x32xi32>
    %ne3A_156 = arith.constant 0 : i32
    %ne3A_157 = vector.broadcast %ne3A_156 : i32 to vector<2048x32xi32>
    %ne3A_158 = arith.cmpi ne, %rem3A_155, %ne3A_157 : vector<2048x32xi32>
    %lt3A = arith.constant 0 : i32
    %lt3A_159 = vector.broadcast %lt3A : i32 to vector<2048x32xi32>
    %lt3A_160 = arith.cmpi slt, %rem3A_155, %lt3A_159 : vector<2048x32xi32>
    %lt3A_161 = arith.constant 0 : i32
    %lt3A_162 = arith.cmpi slt, %select_n3A_153, %lt3A_161 : i32
    %ne3A_163 = vector.broadcast %lt3A_162 : i1 to vector<2048x32xi1>
    %ne3A_164 = vector.broadcast %ne3A_163 : vector<2048x32xi1> to vector<2048x32xi1>
    %ne3A_165 = arith.xori %lt3A_160, %ne3A_164 : vector<2048x32xi1>
    %and3A_166 = arith.andi %ne3A_165, %ne3A_158 : vector<2048x32xi1>
    %add3A_167 = vector.broadcast %select_n3A_153 : i32 to vector<2048x32xi32>
    %add3A_168 = arith.addi %rem3A_155, %add3A_167 : vector<2048x32xi32>
    %select_n3A_169 = arith.select %and3A_166, %add3A_168, %rem3A_155 : vector<2048x32xi1>, vector<2048x32xi32>
    %eq3A_170 = arith.cmpi eq, %iota3A_147, %select_n3A_169 : vector<2048x32xi32>
    %convert_element_type3A_171 = arith.extui %eq3A_170 : vector<2048x32xi1> to vector<2048x32xi32>
    %convert_element_type3A_172 = arith.sitofp %convert_element_type3A_171 : vector<2048x32xi32> to vector<2048x32xf32>
    %mul3A = vector.broadcast %select_n3A_111 : vector<2048x1xf32> to vector<2048x32xf32>
    %mul3A_173 = arith.mulf %convert_element_type3A_172, %mul3A : vector<2048x32xf32>
    %dot_general3A_174 = arith.constant dense<0.000000e+00> : vector<64x32xf32>
    %dot_general3A_175 = tpu.matmul %convert_element_type3A_146, %mul3A_173, %dot_general3A_174 {dimension_numbers = #tpu.dot_dimension_numbers<[1], [0], [0], [1], [0, 0, 1, 1], [], []>, transpose_lhs_hint = false} : vector<64x2048xf32>, vector<2048x32xf32>, vector<64x32xf32> -> vector<64x32xf32>
    %reduce_max3A = arith.constant dense<0xFF800000> : vector<64xf32>
    %reduce_max3A_176 = vector.multi_reduction <maximumf>, %dot_general3A_175, %reduce_max3A [1] : vector<64x32xf32> to vector<64xf32>
    %broadcast_in_dim3A_177 = vector.shape_cast %reduce_max3A_176 : vector<64xf32> to vector<64x1xf32>
    %sub3A_178 = vector.broadcast %broadcast_in_dim3A_177 : vector<64x1xf32> to vector<64x32xf32>
    %sub3A_179 = arith.subf %dot_general3A_175, %sub3A_178 : vector<64x32xf32>
    %exp3A = math.exp %sub3A_179 : vector<64x32xf32>
    %reduce_sum3A_180 = arith.constant dense<0.000000e+00> : vector<64xf32>
    %reduce_sum3A_181 = vector.multi_reduction <add>, %exp3A, %reduce_sum3A_180 [1] : vector<64x32xf32> to vector<64xf32>
    %broadcast_in_dim3A_182 = vector.shape_cast %reduce_sum3A_181 : vector<64xf32> to vector<64x1xf32>
    %div3A_183 = vector.broadcast %broadcast_in_dim3A_182 : vector<64x1xf32> to vector<64x32xf32>
    %div3A_184 = arith.divf %exp3A, %div3A_183 : vector<64x32xf32>
    %swap3A = arith.constant 0 : index
    %swap3A_185 = arith.constant 0 : index
    %swap3A_186 = vector.load %arg11[%swap3A, %swap3A_185] : memref<64x32xf32, #tpu.memory_space<vmem>>, vector<64x32xf32>
    tpu.vector_store %arg11[%swap3A, %swap3A_185], %div3A_184 {strides = array<i32>} : memref<64x32xf32, #tpu.memory_space<vmem>>, vector<64x32xf32>,
    %get3A_187 = arith.constant 0 : index
    %get3A_188 = arith.constant 0 : index
    %get3A_189 = vector.load %arg3[%get3A_187, %get3A_188] : memref<2048x12xi32, #tpu.memory_space<vmem>>, vector<2048x12xi32>
    %get3A_190 = arith.constant 0 : index
    %get3A_191 = arith.constant 0 : index
    %get3A_192 = vector.load %arg5[%get3A_190, %get3A_191] : memref<2048x12xi32, #tpu.memory_space<vmem>>, vector<2048x12xi32>
    %eq3A_193 = arith.cmpi eq, %get3A_189, %get3A_192 : vector<2048x12xi32>
    %get3A_194 = arith.constant 0 : index
    %get3A_195 = arith.constant 0 : index
    %get3A_196 = vector.load %arg4[%get3A_194, %get3A_195] : memref<2048x12xi32, #tpu.memory_space<vmem>>, vector<2048x12xi32>
    %eq3A_197 = arith.constant 1 : i32
    %eq3A_198 = vector.broadcast %eq3A_197 : i32 to vector<2048x12xi32>
    %eq3A_199 = arith.cmpi eq, %get3A_196, %eq3A_198 : vector<2048x12xi32>
    %and3A_200 = arith.andi %eq3A_193, %eq3A_199 : vector<2048x12xi1>
    %convert_element_type3A_201 = arith.extui %and3A_200 : vector<2048x12xi1> to vector<2048x12xi32>
    %reduce_sum3A_202 = arith.constant dense<0> : vector<2048xi32>
    %reduce_sum3A_203 = vector.multi_reduction <add>, %convert_element_type3A_201, %reduce_sum3A_202 [1] : vector<2048x12xi32> to vector<2048xi32>
    %broadcast_in_dim3A_204 = vector.shape_cast %reduce_sum3A_203 : vector<2048xi32> to vector<2048x1xi32>
    %not3A = arith.constant dense<true> : vector<2048x12xi1>
    %not3A_205 = arith.xori %eq3A_199, %not3A : vector<2048x12xi1>
    %or3A = arith.ori %eq3A_193, %not3A_205 : vector<2048x12xi1>
    %reduce_and3A = arith.constant 1.000000e+00 : f32
    %reduce_and3A_206 = arith.constant 0.000000e+00 : f32
    %reduce_and3A_207 = vector.broadcast %reduce_and3A : f32 to vector<2048x12xf32>
    %reduce_and3A_208 = vector.broadcast %reduce_and3A_206 : f32 to vector<2048x12xf32>
    %reduce_and3A_209 = arith.select %or3A, %reduce_and3A_207, %reduce_and3A_208 : vector<2048x12xi1>, vector<2048x12xf32>
    %reduce_and3A_210 = arith.constant dense<0x7F800000> : vector<2048xf32>
    %reduce_and3A_211 = vector.multi_reduction <minimumf>, %reduce_and3A_209, %reduce_and3A_210 [1] : vector<2048x12xf32> to vector<2048xf32>
    %reduce_and3A_212 = arith.constant 0.000000e+00 : f32
    %reduce_and3A_213 = vector.broadcast %reduce_and3A_212 : f32 to vector<2048xf32>
    %reduce_and3A_214 = arith.cmpf ogt, %reduce_and3A_211, %reduce_and3A_213 : vector<2048xf32>
    %broadcast_in_dim3A_215 = vector.shape_cast %reduce_and3A_214 : vector<2048xi1> to vector<2048x1xi1>
    %convert_element_type3A_216 = arith.extui %broadcast_in_dim3A_215 : vector<2048x1xi1> to vector<2048x1xi32>
    %mul3A_217 = arith.constant 12 : i32
    %mul3A_218 = vector.broadcast %mul3A_217 : i32 to vector<2048x1xi32>
    %mul3A_219 = arith.muli %convert_element_type3A_216, %mul3A_218 : vector<2048x1xi32>
    %add3A_220 = arith.addi %broadcast_in_dim3A_204, %mul3A_219 : vector<2048x1xi32>
    %convert_element_type3A_221 = arith.sitofp %add3A_220 : vector<2048x1xi32> to vector<2048x1xf32>
    %mul3A_222 = vector.broadcast %convert_element_type3A_221 : vector<2048x1xf32> to vector<2048x32xf32>
    %mul3A_223 = arith.mulf %convert_element_type3A_172, %mul3A_222 : vector<2048x32xf32>
    %dot_general3A_224 = arith.constant dense<0.000000e+00> : vector<64x32xf32>
    %dot_general3A_225 = tpu.matmul %convert_element_type3A_146, %mul3A_223, %dot_general3A_224 {dimension_numbers = #tpu.dot_dimension_numbers<[1], [0], [0], [1], [0, 0, 1, 1], [], []>, transpose_lhs_hint = false} : vector<64x2048xf32>, vector<2048x32xf32>, vector<64x32xf32> -> vector<64x32xf32>
    %reduce_max3A_226 = arith.constant dense<0xFF800000> : vector<64xf32>
    %reduce_max3A_227 = vector.multi_reduction <maximumf>, %dot_general3A_225, %reduce_max3A_226 [1] : vector<64x32xf32> to vector<64xf32>
    %broadcast_in_dim3A_228 = vector.shape_cast %reduce_max3A_227 : vector<64xf32> to vector<64x1xf32>
    %iota3A_229 = tpu.iota {dimensions = array<i32: 1>} : vector<64x32xi32>
    %eq3A_230 = vector.broadcast %broadcast_in_dim3A_228 : vector<64x1xf32> to vector<64x32xf32>
    %eq3A_231 = arith.cmpf oeq, %dot_general3A_225, %eq3A_230 : vector<64x32xf32>
    %jit3A_232 = arith.constant 32 : i32
    %broadcast_in_dim3A_233 = vector.broadcast %jit3A_232 : i32 to vector<64x32xi32>
    %select_n3A_234 = arith.select %eq3A_231, %iota3A_229, %broadcast_in_dim3A_233 : vector<64x32xi1>, vector<64x32xi32>
    %reduce_min3A = arith.constant dense<2147483647> : vector<64xi32>
    %reduce_min3A_235 = vector.multi_reduction <minsi>, %select_n3A_234, %reduce_min3A [1] : vector<64x32xi32> to vector<64xi32>
    %iota3A_236 = tpu.iota {dimensions = array<i32: 1>} : vector<64x2048xi32>
    %iota3A_237 = tpu.iota {dimensions = array<i32: 0>} : vector<64x2048xi32>
    %jit3A_238 = arith.constant 32 : i32
    %div3A_239 = vector.broadcast %jit3A_238 : i32 to vector<64x2048xi32>
    %div3A_240 = arith.divsi %iota3A_236, %div3A_239 : vector<64x2048xi32>
    %sign3A_241 = arith.constant 0 : i32
    %sign3A_242 = vector.broadcast %sign3A_241 : i32 to vector<64x2048xi32>
    %sign3A_243 = arith.cmpi sgt, %iota3A_236, %sign3A_242 : vector<64x2048xi32>
    %sign3A_244 = arith.extui %sign3A_243 : vector<64x2048xi1> to vector<64x2048xi32>
    %sign3A_245 = arith.constant 0 : i32
    %sign3A_246 = vector.broadcast %sign3A_245 : i32 to vector<64x2048xi32>
    %sign3A_247 = arith.cmpi slt, %iota3A_236, %sign3A_246 : vector<64x2048xi32>
    %sign3A_248 = arith.extui %sign3A_247 : vector<64x2048xi1> to vector<64x2048xi32>
    %sign3A_249 = arith.subi %sign3A_244, %sign3A_248 : vector<64x2048xi32>
    %sign3A_250 = arith.constant 0 : i32
    %sign3A_251 = arith.cmpi sgt, %jit3A_238, %sign3A_250 : i32
    %sign3A_252 = arith.extui %sign3A_251 : i1 to i32
    %sign3A_253 = arith.constant 0 : i32
    %sign3A_254 = arith.cmpi slt, %jit3A_238, %sign3A_253 : i32
    %sign3A_255 = arith.extui %sign3A_254 : i1 to i32
    %sign3A_256 = arith.subi %sign3A_252, %sign3A_255 : i32
    %ne3A_257 = vector.broadcast %sign3A_256 : i32 to vector<64x2048xi32>
    %ne3A_258 = arith.cmpi ne, %sign3A_249, %ne3A_257 : vector<64x2048xi32>
    %rem3A_259 = vector.broadcast %jit3A_238 : i32 to vector<64x2048xi32>
    %rem3A_260 = arith.remsi %iota3A_236, %rem3A_259 : vector<64x2048xi32>
    %ne3A_261 = arith.constant 0 : i32
    %ne3A_262 = vector.broadcast %ne3A_261 : i32 to vector<64x2048xi32>
    %ne3A_263 = arith.cmpi ne, %rem3A_260, %ne3A_262 : vector<64x2048xi32>
    %and3A_264 = arith.andi %ne3A_258, %ne3A_263 : vector<64x2048xi1>
    %sub3A_265 = arith.constant 1 : i32
    %sub3A_266 = vector.broadcast %sub3A_265 : i32 to vector<64x2048xi32>
    %sub3A_267 = arith.subi %div3A_240, %sub3A_266 : vector<64x2048xi32>
    %select_n3A_268 = arith.select %and3A_264, %sub3A_267, %div3A_240 : vector<64x2048xi1>, vector<64x2048xi32>
    %eq3A_269 = arith.cmpi eq, %select_n3A_268, %iota3A_237 : vector<64x2048xi32>
    %jit3A_270 = arith.constant 32 : i32
    %eq3A_271 = arith.constant 0 : i32
    %eq3A_272 = arith.cmpi eq, %jit3A_270, %eq3A_271 : i32
    %jit3A_273 = arith.constant 1 : i32
    %select_n3A_274 = arith.select %eq3A_272, %jit3A_273, %jit3A_270 : i32
    %rem3A_275 = vector.broadcast %select_n3A_274 : i32 to vector<64x2048xi32>
    %rem3A_276 = arith.remsi %iota3A_236, %rem3A_275 : vector<64x2048xi32>
    %ne3A_277 = arith.constant 0 : i32
    %ne3A_278 = vector.broadcast %ne3A_277 : i32 to vector<64x2048xi32>
    %ne3A_279 = arith.cmpi ne, %rem3A_276, %ne3A_278 : vector<64x2048xi32>
    %lt3A_280 = arith.constant 0 : i32
    %lt3A_281 = vector.broadcast %lt3A_280 : i32 to vector<64x2048xi32>
    %lt3A_282 = arith.cmpi slt, %rem3A_276, %lt3A_281 : vector<64x2048xi32>
    %lt3A_283 = arith.constant 0 : i32
    %lt3A_284 = arith.cmpi slt, %select_n3A_274, %lt3A_283 : i32
    %ne3A_285 = vector.broadcast %lt3A_284 : i1 to vector<64x2048xi1>
    %ne3A_286 = vector.broadcast %ne3A_285 : vector<64x2048xi1> to vector<64x2048xi1>
    %ne3A_287 = arith.xori %lt3A_282, %ne3A_286 : vector<64x2048xi1>
    %and3A_288 = arith.andi %ne3A_287, %ne3A_279 : vector<64x2048xi1>
    %add3A_289 = vector.broadcast %select_n3A_274 : i32 to vector<64x2048xi32>
    %add3A_290 = arith.addi %rem3A_276, %add3A_289 : vector<64x2048xi32>
    %select_n3A_291 = arith.select %and3A_288, %add3A_290, %rem3A_276 : vector<64x2048xi1>, vector<64x2048xi32>
    %broadcast_in_dim3A_292 = vector.shape_cast %reduce_min3A_235 : vector<64xi32> to vector<64x1xi32>
    %eq3A_293 = vector.broadcast %broadcast_in_dim3A_292 : vector<64x1xi32> to vector<64x2048xi32>
    %eq3A_294 = arith.cmpi eq, %select_n3A_291, %eq3A_293 : vector<64x2048xi32>
    %and3A_295 = arith.andi %eq3A_269, %eq3A_294 : vector<64x2048xi1>
    %convert_element_type3A_296 = arith.extui %and3A_295 : vector<64x2048xi1> to vector<64x2048xi32>
    %convert_element_type3A_297 = arith.sitofp %convert_element_type3A_296 : vector<64x2048xi32> to vector<64x2048xf32>
    %get3A_298 = arith.constant 0 : index
    %get3A_299 = arith.constant 0 : index
    %get3A_300 = vector.load %arg0[%get3A_298, %get3A_299] : memref<2048x512xf32, #tpu.memory_space<vmem>>, vector<2048x512xf32>
    %dot_general3A_301 = arith.constant dense<0.000000e+00> : vector<64x512xf32>
    %dot_general3A_302 = tpu.matmul %convert_element_type3A_297, %get3A_300, %dot_general3A_301 {dimension_numbers = #tpu.dot_dimension_numbers<[1], [0], [0], [1], [0, 0, 1, 1], [], []>, transpose_lhs_hint = false} : vector<64x2048xf32>, vector<2048x512xf32>, vector<64x512xf32> -> vector<64x512xf32>
    %swap3A_303 = arith.constant 0 : index
    %swap3A_304 = arith.constant 0 : index
    %swap3A_305 = vector.load %arg13[%swap3A_303, %swap3A_304] : memref<64x512xf32, #tpu.memory_space<vmem>>, vector<64x512xf32>
    tpu.vector_store %arg13[%swap3A_303, %swap3A_304], %dot_general3A_302 {strides = array<i32>} : memref<64x512xf32, #tpu.memory_space<vmem>>, vector<64x512xf32>,
    %get3A_306 = arith.constant 0 : index
    %get3A_307 = arith.constant 0 : index
    %get3A_308 = vector.load %arg3[%get3A_306, %get3A_307] : memref<2048x12xi32, #tpu.memory_space<vmem>>, vector<2048x12xi32>
    %convert_element_type3A_309 = arith.sitofp %get3A_308 : vector<2048x12xi32> to vector<2048x12xf32>
    %dot_general3A_310 = arith.constant dense<0.000000e+00> : vector<64x12xf32>
    %dot_general3A_311 = tpu.matmul %convert_element_type3A_297, %convert_element_type3A_309, %dot_general3A_310 {dimension_numbers = #tpu.dot_dimension_numbers<[1], [0], [0], [1], [0, 0, 1, 1], [], []>, transpose_lhs_hint = false} : vector<64x2048xf32>, vector<2048x12xf32>, vector<64x12xf32> -> vector<64x12xf32>
    %swap3A_312 = arith.constant 0 : index
    %swap3A_313 = arith.constant 0 : index
    %swap3A_314 = vector.load %arg14[%swap3A_312, %swap3A_313] : memref<64x12xf32, #tpu.memory_space<vmem>>, vector<64x12xf32>
    tpu.vector_store %arg14[%swap3A_312, %swap3A_313], %dot_general3A_311 {strides = array<i32>} : memref<64x12xf32, #tpu.memory_space<vmem>>, vector<64x12xf32>,
    %get3A_315 = arith.constant 0 : index
    %get3A_316 = arith.constant 0 : index
    %get3A_317 = vector.load %arg2[%get3A_315, %get3A_316] : memref<64x512xf32, #tpu.memory_space<vmem>>, vector<64x512xf32>
    %get3A_318 = arith.constant 0 : index
    %get3A_319 = arith.constant 0 : index
    %get3A_320 = vector.load %arg9[%get3A_318, %get3A_319] : memref<1024x512xf32, #tpu.memory_space<vmem>>, vector<512x512xf32>
    %dot_general3A_321 = arith.constant dense<0.000000e+00> : vector<64x512xf32>
    %dot_general3A_322 = tpu.matmul %get3A_317, %get3A_320, %dot_general3A_321 {dimension_numbers = #tpu.dot_dimension_numbers<[1], [0], [0], [1], [0, 0, 1, 1], [], []>, transpose_lhs_hint = false} : vector<64x512xf32>, vector<512x512xf32>, vector<64x512xf32> -> vector<64x512xf32>
    %get3A_323 = arith.constant 512 : index
    %get3A_324 = arith.constant 0 : index
    %get3A_325 = vector.load %arg9[%get3A_323, %get3A_324] : memref<1024x512xf32, #tpu.memory_space<vmem>>, vector<512x512xf32>
    %dot_general3A_326 = arith.constant dense<0.000000e+00> : vector<64x512xf32>
    %dot_general3A_327 = tpu.matmul %dot_general3A_302, %get3A_325, %dot_general3A_326 {dimension_numbers = #tpu.dot_dimension_numbers<[1], [0], [0], [1], [0, 0, 1, 1], [], []>, transpose_lhs_hint = false} : vector<64x512xf32>, vector<512x512xf32>, vector<64x512xf32> -> vector<64x512xf32>
    %add3A_328 = arith.addf %dot_general3A_322, %dot_general3A_327 : vector<64x512xf32>
    %get3A_329 = arith.constant 0 : index
    %get3A_330 = arith.constant 0 : index
    %get3A_331 = vector.load %arg10[%get3A_329, %get3A_330] : memref<1x512xf32, #tpu.memory_space<vmem>>, vector<1x512xf32>
    %add3A_332 = vector.broadcast %get3A_331 : vector<1x512xf32> to vector<64x512xf32>
    %add3A_333 = arith.addf %add3A_328, %add3A_332 : vector<64x512xf32>
    %tanh3A_334 = math.tanh %add3A_333 : vector<64x512xf32>
    %swap3A_335 = arith.constant 0 : index
    %swap3A_336 = arith.constant 0 : index
    %swap3A_337 = vector.load %arg12[%swap3A_335, %swap3A_336] : memref<64x512xf32, #tpu.memory_space<vmem>>, vector<64x512xf32>
    tpu.vector_store %arg12[%swap3A_335, %swap3A_336], %tanh3A_334 {strides = array<i32>} : memref<64x512xf32, #tpu.memory_space<vmem>>, vector<64x512xf32>,
    return
  }
}

module attributes {stable_mosaic.version = 14 : i64} {
  func.func @_tok_kernel(%arg0: i32, %arg1: memref<2x256xf32, #tpu.memory_space<vmem>>, %arg2: memref<64x512xf32, #tpu.memory_space<vmem>>, %arg3: memref<64x512xf32, #tpu.memory_space<vmem>>, %arg4: memref<64x12xf32, #tpu.memory_space<vmem>>, %arg5: memref<1280x1024xf32, #tpu.memory_space<vmem>>, %arg6: memref<1x1024xf32, #tpu.memory_space<vmem>>, %arg7: memref<64x12x1024xf32, #tpu.memory_space<vmem>>) attributes {dimension_semantics = [#tpu.dimension_semantics<arbitrary>], iteration_bounds = array<i64: 10>, scalar_prefetch = 0 : i64, scratch_operands = 0 : i64, tpu.core_type = #tpu.core_type<tc>, window_params = [{pipeline_mode = #tpu.pipeline_mode<synchronous>, transform_indices = @transform_0, window_bounds = array<i64: 2, 256>}, {pipeline_mode = #tpu.pipeline_mode<synchronous>, transform_indices = @transform_1, window_bounds = array<i64: 64, 512>}, {pipeline_mode = #tpu.pipeline_mode<synchronous>, transform_indices = @transform_2, window_bounds = array<i64: 64, 512>}, {pipeline_mode = #tpu.pipeline_mode<synchronous>, transform_indices = @transform_3, window_bounds = array<i64: 64, 12>}, {transform_indices = @transform_4, window_bounds = array<i64: 1280, 1024>}, {transform_indices = @transform_5, window_bounds = array<i64: 1, 1024>}, {transform_indices = @transform_6, window_bounds = array<i64: 64, 12, 1024>}]} {
    %get3A = arith.constant 0 : index
    %get3A_0 = arith.constant 0 : index
    %get3A_1 = vector.load %arg1[%get3A, %get3A_0] : memref<2x256xf32, #tpu.memory_space<vmem>>, vector<2x256xf32>
    %get3A_2 = arith.constant 0 : index
    %get3A_3 = arith.constant 0 : index
    %get3A_4 = vector.load %arg5[%get3A_2, %get3A_3] : memref<1280x1024xf32, #tpu.memory_space<vmem>>, vector<256x1024xf32>
    %dot_general3A = arith.constant dense<0.000000e+00> : vector<2x1024xf32>
    %dot_general3A_5 = tpu.matmul %get3A_1, %get3A_4, %dot_general3A {dimension_numbers = #tpu.dot_dimension_numbers<[1], [0], [0], [1], [0, 0, 1, 1], [], []>, transpose_lhs_hint = false} : vector<2x256xf32>, vector<256x1024xf32>, vector<2x1024xf32> -> vector<2x1024xf32>
    %get3A_6 = arith.constant 0 : index
    %get3A_7 = arith.constant 0 : index
    %get3A_8 = vector.load %arg2[%get3A_6, %get3A_7] : memref<64x512xf32, #tpu.memory_space<vmem>>, vector<64x512xf32>
    %get3A_9 = arith.constant 256 : index
    %get3A_10 = arith.constant 0 : index
    %get3A_11 = vector.load %arg5[%get3A_9, %get3A_10] : memref<1280x1024xf32, #tpu.memory_space<vmem>>, vector<512x1024xf32>
    %dot_general3A_12 = arith.constant dense<0.000000e+00> : vector<64x1024xf32>
    %dot_general3A_13 = tpu.matmul %get3A_8, %get3A_11, %dot_general3A_12 {dimension_numbers = #tpu.dot_dimension_numbers<[1], [0], [0], [1], [0, 0, 1, 1], [], []>, transpose_lhs_hint = false} : vector<64x512xf32>, vector<512x1024xf32>, vector<64x1024xf32> -> vector<64x1024xf32>
    %get3A_14 = arith.constant 0 : index
    %get3A_15 = arith.constant 0 : index
    %get3A_16 = vector.load %arg3[%get3A_14, %get3A_15] : memref<64x512xf32, #tpu.memory_space<vmem>>, vector<64x512xf32>
    %get3A_17 = arith.constant 768 : index
    %get3A_18 = arith.constant 0 : index
    %get3A_19 = vector.load %arg5[%get3A_17, %get3A_18] : memref<1280x1024xf32, #tpu.memory_space<vmem>>, vector<512x1024xf32>
    %dot_general3A_20 = arith.constant dense<0.000000e+00> : vector<64x1024xf32>
    %dot_general3A_21 = tpu.matmul %get3A_16, %get3A_19, %dot_general3A_20 {dimension_numbers = #tpu.dot_dimension_numbers<[1], [0], [0], [1], [0, 0, 1, 1], [], []>, transpose_lhs_hint = false} : vector<64x512xf32>, vector<512x1024xf32>, vector<64x1024xf32> -> vector<64x1024xf32>
    %add3A = arith.addf %dot_general3A_13, %dot_general3A_21 : vector<64x1024xf32>
    %get3A_22 = arith.constant 0 : index
    %get3A_23 = arith.constant 0 : index
    %get3A_24 = vector.load %arg6[%get3A_22, %get3A_23] : memref<1x1024xf32, #tpu.memory_space<vmem>>, vector<1x1024xf32>
    %add3A_25 = vector.broadcast %get3A_24 : vector<1x1024xf32> to vector<64x1024xf32>
    %add3A_26 = arith.addf %add3A, %add3A_25 : vector<64x1024xf32>
    %get3A_27 = arith.constant 0 : index
    %get3A_28 = arith.constant 0 : index
    %get3A_29 = vector.load %arg4[%get3A_27, %get3A_28] : memref<64x12xf32, #tpu.memory_space<vmem>>, vector<64x12xf32>
    %broadcast_in_dim3A = vector.shape_cast %get3A_29 : vector<64x12xf32> to vector<64x12x1xf32>
    %broadcast_in_dim3A_30 = vector.shape_cast %add3A_26 : vector<64x1024xf32> to vector<64x1x1024xf32>
    %slice3A = vector.extract_strided_slice %dot_general3A_5 {offsets = [0, 0], sizes = [1, 1024], strides = [1, 1]} : vector<2x1024xf32> to vector<1x1024xf32>
    %broadcast_in_dim3A_31 = vector.shape_cast %slice3A : vector<1x1024xf32> to vector<1x1x1024xf32>
    %add3A_32 = vector.broadcast %broadcast_in_dim3A_31 : vector<1x1x1024xf32> to vector<64x1x1024xf32>
    %add3A_33 = arith.addf %broadcast_in_dim3A_30, %add3A_32 : vector<64x1x1024xf32>
    %slice3A_34 = vector.extract_strided_slice %dot_general3A_5 {offsets = [1, 0], sizes = [1, 1024], strides = [1, 1]} : vector<2x1024xf32> to vector<1x1024xf32>
    %slice3A_35 = vector.extract_strided_slice %dot_general3A_5 {offsets = [0, 0], sizes = [1, 1024], strides = [1, 1]} : vector<2x1024xf32> to vector<1x1024xf32>
    %sub3A = arith.subf %slice3A_34, %slice3A_35 : vector<1x1024xf32>
    %broadcast_in_dim3A_36 = vector.shape_cast %sub3A : vector<1x1024xf32> to vector<1x1x1024xf32>
    %mul3A = vector.broadcast %broadcast_in_dim3A : vector<64x12x1xf32> to vector<64x12x1024xf32>
    %mul3A_37 = vector.broadcast %broadcast_in_dim3A_36 : vector<1x1x1024xf32> to vector<64x12x1024xf32>
    %mul3A_38 = arith.mulf %mul3A, %mul3A_37 : vector<64x12x1024xf32>
    %add3A_39 = vector.broadcast %add3A_33 : vector<64x1x1024xf32> to vector<64x12x1024xf32>
    %add3A_40 = arith.addf %add3A_39, %mul3A_38 : vector<64x12x1024xf32>
    %swap3A = arith.constant 0 : index
    %swap3A_41 = arith.constant 0 : index
    %swap3A_42 = arith.constant 0 : index
    %swap3A_43 = vector.load %arg7[%swap3A, %swap3A_41, %swap3A_42] : memref<64x12x1024xf32, #tpu.memory_space<vmem>>, vector<64x12x1024xf32>
    tpu.vector_store %arg7[%swap3A, %swap3A_41, %swap3A_42], %add3A_40 {strides = array<i32>} : memref<64x12x1024xf32, #tpu.memory_space<vmem>>, vector<64x12x1024xf32>,
    return
  }
  func.func @transform_0(%arg0: i32) -> (i32, i32) {
    %c0_i32 = arith.constant 0 : i32
    %c0_i32_0 = arith.constant 0 : i32
    %c0_i32_1 = arith.constant 0 : i32
    return %c0_i32, %c0_i32_0 : i32, i32
  }
  func.func @transform_1(%arg0: i32) -> (i32, i32) {
    %c0_i32 = arith.constant 0 : i32
    %c0_i32_0 = arith.constant 0 : i32
    %c0_i32_1 = arith.constant 0 : i32
    return %c0_i32, %c0_i32_0 : i32, i32
  }
  func.func @transform_2(%arg0: i32) -> (i32, i32) {
    %c0_i32 = arith.constant 0 : i32
    %c0_i32_0 = arith.constant 0 : i32
    %c0_i32_1 = arith.constant 0 : i32
    return %c0_i32, %c0_i32_0 : i32, i32
  }
  func.func @transform_3(%arg0: i32) -> (i32, i32) {
    %c0_i32 = arith.constant 0 : i32
    %c0_i32_0 = arith.constant 0 : i32
    %c0_i32_1 = arith.constant 0 : i32
    return %c0_i32, %c0_i32_0 : i32, i32
  }
  func.func @transform_4(%arg0: i32) -> (i32, i32) {
    %c0_i32 = arith.constant 0 : i32
    %c0_i32_0 = arith.constant 0 : i32
    return %c0_i32, %arg0 : i32, i32
  }
  func.func @transform_5(%arg0: i32) -> (i32, i32) {
    %c0_i32 = arith.constant 0 : i32
    %c0_i32_0 = arith.constant 0 : i32
    return %c0_i32, %arg0 : i32, i32
  }
  func.func @transform_6(%arg0: i32) -> (i32, i32, i32) {
    %c0_i32 = arith.constant 0 : i32
    %c0_i32_0 = arith.constant 0 : i32
    %c0_i32_1 = arith.constant 0 : i32
    return %c0_i32, %c0_i32_0, %arg0 : i32, i32, i32
  }
}

</mosaic_0001>

<sc_bundles>
// kernel: kernel.7.cloned.1.call-start
scs
__scs_entry_jumppad:
0x0: {  	(pc) =	sbr.rel $0x88, $3  }
0x1: {  	(tag) =	ssettag $0x0;
	lr =	simm.s32 $0x1  }
0x2: {  	[smem:$0x3F8F] =	sst lr;
	_ =	strace $0xD0000000  }
0x3: {  	_ = 	snop  }
0x4: {  	_ = 	snop  }
0x5: {  	_ = 	snop  }
0x6: {  	_ = 	snop  }
0x7: {  	_ = 	snop  }
__scs_overlays_trampoline_lowered:
0x8: {  	[smem:$0x3F9E] =	sst s0  }
0x9: {  	[smem:$0x3F9F] =	sst s1  }
0xa: {  	[smem:$0x3FA0] =	sst s2  }
0xb: {  	[smem:$0x3FA1] =	sst s3  }
0xc: {  	[smem:$0x3FA2] =	sst s4  }
0xd: {  	[smem:$0x3FA3] =	sst s5  }
0xe: {  	[smem:$0x3FA4] =	sst s6  }
0xf: {  	[smem:$0x3FA5] =	sst s7  }
0x10: {  	[smem:$0x3FA6] =	sst s8  }
0x11: {  	[smem:$0x3FA7] =	sst s9;
	s0 =	simm.s32 @!p0 $0x0  }
0x12: {  	s1 =	sld [smem:$0x3F8D];
	s0 =	simm.s32 @p0 $0x1  }
0x13: {  	[smem:$0x3FA8] =	sst s0;
	s0 =	simm.s32 @!p1 $0x0  }
0x14: {  	s2 =	sld [smem:$0x3F8C];
	s0 =	simm.s32 @p1 $0x1  }
0x15: {  	[smem:$0x3FA9] =	sst s0;
	s0 =	simm.s32 @!p2 $0x0  }
0x16: {  	s3 =	sld [smem:$0x3FDB];
	s0 =	simm.s32 @p2 $0x1  }
0x17: {  	s4 =	simm.s32 $0x1BF5;
	[smem:$0x3FAB] =	sst s0  }
0x18: {  	s0 =	sld [smem:$0x3F8E];
	_ =	swait.ge [sflag:s4], $0x0  }
0x19: {  	s7 =	sld [smem:$0x3F8F]  }
0x1a: {  	s8 =	sadd.s32 $0xFFFFE003, lr  }
0x1b: {  	s9 =	sadd.s32 $0xFFFFFEF7, lr;
	s5 =	simm.s32 $0xFFFFFFFF;
	p2 =	slt.u32 s8, $0xFFFFF086  }
0x1c: {  	p1 =	slt.u32 s9, $0xF7A;
	s5 =	simm.s32 @!p2 $0x0  }
0x1d: {  	s5 =	simm.s32 @p1 $0x1;
	p0 =	seq.s32 s7, s2  }
0x1e: {  	s7 =	smul.u32 @!p0 $0xF7A, s2;
	p2 =	seq.s32 @!p0 s5, $0x0  }
0x1f: {  	s9 =	smul.u32 $0xF7A, s1;
	s8 =	simm.s32 @!p0 $0x1BF5;
	p2 =	por !p2, p0  }
0x20: {  	[sflag:s8] =	ssyncset.s32 @!p0 $0xFFFFF086;
	s6 =	sadd.s32 @!p0 s3, s7;
	s7 =	simm.s32 @!p0 $0x108  }
0x21: {  	s3 =	sadd.s32 s3, s9;
	s6 =	sadd.s32 @!p0 $0x88, s6;
	s7 =	simm.s32 @p2 $0x1082  }
0x22: {  	[simem:s7], [sflag:s8] =	dma.local @!p0 [hbm:s6], $0xF7A  }
0x23: {  	s9 =	sor.u32 $0xD0000000, s2;
	s6 =	simm.s32 $0x108;
	_ =	swait.ge @!p0 [sflag:s8], $0x0  }
0x24: {  	s3 =	sadd.s32 $0x88, s3;
	s6 =	simm.s32 @!p1 $0x1082;
	[sflag:s4] =	ssyncset.s32 $0xFFFFF086  }
0x25: {  	[simem:s6], [sflag:s4] =	dma.local [hbm:s3], $0xF7A  }
0x26: {  	[smem:$0x3F8F] =	sst s1;
	(tag) =	ssettag s2;
	_ =	strace s9  }
0x27: {  	s1 =	sld [smem:$0x3F9F]  }
0x28: {  	s2 =	sld [smem:$0x3FA0]  }
0x29: {  	s4 =	sld [smem:$0x3FA2]  }
0x2a: {  	p0 =	seq.s32 s5, $0x0;
	s5 =	sld [smem:$0x3FA3]  }
0x2b: {  	s6 =	sld [smem:$0x3FA4]  }
0x2c: {  	s7 =	sld [smem:$0x3FA5]  }
0x2d: {  	s3 =	simm.s32 $0x108;
	s8 =	sld [smem:$0x3FA6]  }
0x2e: {  	s3 =	simm.s32 @!p0 $0x1082;
	s9 =	sld [smem:$0x3FA7]  }
0x2f: {  	lr =	sadd.s32 s0, s3;
	s0 =	sld [smem:$0x3F9E]  }
0x30: {  	s3 =	sld [smem:$0x3FA1]  }
0x31: {  	[smem:$0x3FAA] =	sst s10  }
0x32: {  	s10 =	sld [smem:$0x3FA8];
	_ =	sdelay $0x3  }
0x33: {  	p0 =	seq.s32 s10, $0x1;
	s10 =	sld [smem:$0x3FAA];
	_ =	sdelay $0x3  }
0x34: {  	[smem:$0x3FAA] =	sst s10  }
0x35: {  	s10 =	sld [smem:$0x3FA9];
	_ =	sdelay $0x3  }
0x36: {  	p1 =	seq.s32 s10, $0x1;
	s10 =	sld [smem:$0x3FAA];
	_ =	sdelay $0x3  }
0x37: {  	[smem:$0x3FAA] =	sst s10  }
0x38: {  	s10 =	sld [smem:$0x3FAB]  }
0x39: {  	_ = 	snop;
	(pc) =	sbr.ind lr, $3  }
0x3a: {  	_ = 	snop  }
0x3b: {  	_ = 	snop  }
0x3c: {  	p2 =	seq.s32 s10, $0x1;
	s10 =	sld [smem:$0x3FAA]  }
0x3d: {  	_ =	shalt  }
0x3e: {  	_ =	shalt  }
0x3f: {  	_ =	shalt  }
0x40: {  	_ =	shalt  }
0x41: {  	_ =	shalt  }
0x42: {  	_ =	shalt  }
0x43: {  	_ =	shalt  }
0x44: {  	_ =	shalt  }
0x45: {  	_ =	shalt  }
0x46: {  	_ =	shalt  }
0x47: {  	_ =	shalt  }
0x48: {  	_ =	shalt  }
0x49: {  	_ =	shalt  }
0x4a: {  	_ =	shalt  }
0x4b: {  	_ =	shalt  }
0x4c: {  	_ =	shalt  }
0x4d: {  	_ =	shalt  }
0x4e: {  	_ =	shalt  }
0x4f: {  	_ =	shalt  }
0x50: {  	_ =	shalt  }
0x51: {  	_ =	shalt  }
0x52: {  	_ =	shalt  }
0x53: {  	_ =	shalt  }
0x54: {  	_ =	shalt  }
0x55: {  	_ =	shalt  }
0x56: {  	_ =	shalt  }
0x57: {  	_ =	shalt  }
0x58: {  	_ =	shalt  }
0x59: {  	_ =	shalt  }
0x5a: {  	_ =	shalt  }
0x5b: {  	_ =	shalt  }
0x5c: {  	_ =	shalt  }
0x5d: {  	_ =	shalt  }
0x5e: {  	_ =	shalt  }
0x5f: {  	_ =	shalt  }
0x60: {  	_ =	shalt  }
0x61: {  	_ =	shalt  }
0x62: {  	_ =	shalt  }
0x63: {  	_ =	shalt  }
0x64: {  	_ =	shalt  }
0x65: {  	_ =	shalt  }
0x66: {  	_ =	shalt  }
0x67: {  	_ =	shalt  }
0x68: {  	_ =	shalt  }
0x69: {  	_ =	shalt  }
0x6a: {  	_ =	shalt  }
0x6b: {  	_ =	shalt  }
0x6c: {  	_ =	shalt  }
0x6d: {  	_ =	shalt  }
0x6e: {  	_ =	shalt  }
0x6f: {  	_ =	shalt  }
0x70: {  	_ =	shalt  }
0x71: {  	_ =	shalt  }
0x72: {  	_ =	shalt  }
0x73: {  	_ =	shalt  }
0x74: {  	_ =	shalt  }
0x75: {  	_ =	shalt  }
0x76: {  	_ =	shalt  }
0x77: {  	_ =	shalt  }
0x78: {  	_ =	shalt  }
0x79: {  	_ =	shalt  }
0x7a: {  	_ =	shalt  }
0x7b: {  	_ =	shalt  }
0x7c: {  	_ =	shalt  }
0x7d: {  	_ =	shalt  }
0x7e: {  	_ =	shalt  }
0x7f: {  	_ =	shalt  }
0x80: {  	_ =	shalt  }
0x81: {  	_ =	shalt  }
0x82: {  	_ =	shalt  }
0x83: {  	_ =	shalt  }
0x84: {  	_ =	shalt  }
0x85: {  	_ =	shalt  }
0x86: {  	_ =	shalt  }
0x87: {  	_ =	shalt  }
.Lfunc_end0:
.L_simem_size_0:
called_computation_lowered:
.L_overlay_start_0:
0x88: {  	s2 =	sld [smem:$0x3FD9]  }
0x89: {  	s3 =	sld [smem:$0x3FFE];
	_ =	sdelay $0x1  }
0x8a: {  	s1 =	srdreg.scid  }
0x8b: {  	s0 =	sand.u32 $0x1, s1  }
0x8c: {  	s15 =	sshll.u32 s0, $0xA;
	s2 =	sadd.s32 s3, s2  }
0x8d: {  	s2 =	sadd.s32 s2, s15  }
0x8e: {  	[smem:$0x3FB6] =	sst s2  }
0x8f: {  	_ = 	snop  }
0x90: {  	s2 =	sld [smem:$0x3FD0];
	_ =	sdelay $0x1  }
0x91: {  	s16 =	sld [smem:$0x3FC9]  }
0x92: {  	s5 =	simm.s32 $0xA;
	s6 =	simm.s32 $0x10;
	s4 =	sld [smem:$0x3FC4]  }
0x93: {  	[smem:s6], [sflag:s5] =	dma.local [hbm:s2], $0x1  }
0x94: {  	_ =	swait.eq [sflag:s5], $0x1  }
0x95: {  	[sflag:s5] =	ssyncset.done $0x0  }
0x96: {  	[sflag:s5] =	ssyncadd.s32 $0xFFFFFFFF  }
0x97: {  	s17 =	sld [smem:$0x12];
	(tm) =	ssettm $0x1  }
0x98: {  	s18 =	sld [smem:$0x3FFB];
	_ =	sdelay $0x3  }
0x99: {  	_ =	strace s18  }
0x9a: {  	s5 =	sld [smem:$0x3FFC];
	_ =	sdelay $0x3  }
0x9b: {  	_ =	strace s5  }
0x9c: {  	s5 =	sld [smem:$0x3FFD];
	_ =	sdelay $0x3  }
0x9d: {  	_ =	strace s5  }
0x9e: {  	_ =	strace $0x8FFFFFFF  }
0x9f: {  	s19 =	sld [smem:$0x3FDB];
	_ =	sdelay $0x1  }
0xa0: {  	s20 =	simm.s32 $_scs_section_size  }
0xa1: {  	s7 =	simm.s32 $_size__tile_overlayer_lowered;
	s8 =	simm.s32 $_tile_overlayer_lowered  }
0xa2: {  	s23 =	simm.s32 $0x1BFF;
	s22 =	sshll.u32 s8, $0x1;
	s5 =	sadd.s32 s20, s19  }
0xa3: {  	s9 =	simm.s32 $0x0;
	s21 =	sshll.u32 s7, $0x1;
	s7 =	sadd.s32 s22, s5  }
0xa4: {  	[timem:s9], [sflag:s23] =	dma.local [hbm:s7], s21  }
0xa5: {  	_ =	swait.ge [sflag:s23], s21  }
0xa6: {  	s6 =	ssub.s32 $0x0, s21;
	[sflag:s23] =	ssyncset.done $0x0  }
0xa7: {  	[sflag:s23] =	ssyncadd.s32 s6;
	_ =	sdelay $0x1  }
0xa8: {  	s24 =	simm.s32 $0x1B8B  }
0xa9: {  	_ =	swait.ge [sflag:s24], $0x1  }
0xaa: {  	[sflag:s24] =	ssyncset.done $0x0  }
0xab: {  	s25 =	simm.s32 $0x1B8E;
	[sflag:s24] =	ssyncadd.s32 $0xFFFFFFFF  }
0xac: {  	s26 =	simm.s32 $execute0_lowered;
	[smem:$0x3FD2] =	sst s25  }
0xad: {  	s6 =	sshll.u32 s26, $0x1;
	_ =	strace $0x80000046;
	[dreg:$0x1] =	wrdreg $0xFFFFFFFF  }
0xae: {  	s28 =	simm.s32 $_size_execute0_lowered;
	s5 =	sadd.s32 s5, s6;
	[dreg:$0x0] =	wrdreg $0x0  }
0xaf: {  	s6 =	sshll.u32 s28, $0x1;
	[dreg:$0x2] =	wrdreg s5  }
0xb0: {  	[dreg:$0x3] =	wrdreg s6  }
0xb1: {  	[dreg:$0x4] =	wrdreg $0xC0  }
0xb2: {  	_ =	task [dreg:s9], $0x5FFFF  }
0xb3: {  	[dreg:$0x1] =	wrdreg $0xFFFFFFFF  }
0xb4: {  	[dreg:$0x0] =	wrdreg $0x60  }
0xb5: {  	[dreg:$0x2] =	wrdreg s4  }
0xb6: {  	[dreg:$0x3] =	wrdreg s16  }
0xb7: {  	[dreg:$0x4] =	wrdreg s17  }
0xb8: {  	[dreg:$0x5] =	wrdreg $0x9  }
0xb9: {  	_ =	task.clear_ibuf [dreg:s9], $0x6FFFF;
	_ =	strace $0x90000046  }
0xba: {  	s29 =	simm.s32 $0x9;
	_ =	strace $0x80000048  }
0xbb: {  	_ =	swait.ge [sflag:s29], $0x1  }
0xbc: {  	[sflag:s29] =	ssyncadd.s32 $0xFFFFFFFF  }
0xbd: {  	_ =	strace $0x90000048  }
0xbe: {  	_ =	sfence  }
0xbf: {  	s30 =	sld [smem:$0x0];
	_ =	sdelay $0x2  }
0xc0: {  	s31 =	sshll.u32 s1, $0xD;
	s1 =	sshrl.u32 s1, $0x2  }
0xc1: {  	s3 =	sand.u32 $0x4000, s31;
	s1 =	sadd.s32 s1, s30  }
0xc2: {  	s0 =	sor.u32 s3, s0;
	s1 =	sshll.u32 s1, $0x11  }
0xc3: {  	s0 =	sor.u32 s1, s0  }
0xc4: {  	s0 =	sadd.s32 $0x8F2B, s0  }
0xc5: {  	[sflag:s0] =	ssyncadd.remote.s32 $0x1  }
0xc6: {  	_ =	sfence.sel $0xFFFF  }
0xc7: {  	[dreg:$0x0] =	wrdreg $0xFFFFFFFF;
	(pc) =	sbr.abs _section_cstart, $3  }
0xc8: {  	[dreg:$0x1] =	wrdreg $0xFFFFFFFF  }
0xc9: {  	_ =	task.clear_ibuf [dreg:s9], $0x2FFFF;
	_ =	strace $0x9FFFFFFF  }
0xca: {  	(tm) =	ssettm $0x7FFFFFFF  }
0xcb: {  	_ =	shalt  }
tec
execute0_lowered:
.L_overlay_start_1:
0x0: {  	(tag) =	ssettag $0x1  }
0x1: {  	s1 =	stileid.u32  }
0x2: {  	p0 =	sgt.u32 s1, $0x3  }
.Ltmp0:
0x3: {  	s2 =	rddreg [dreg:$0x0];
	(pc) =	sbr.rel @p0 .LBB2_4-.Ltmp0, $4  }
0x4: {  	s4 =	rddreg [dreg:$0x1]  }
0x5: {  	s8 =	rddreg [dreg:$0x2];
	s3 =	simm.s32 $0x0  }
0x6: {  	[smem:$0x7FF] =	sst s3  }
0x7: {  	s0 =	rddreg [dreg:$0x3];
	_ =	strace $0x80000047  }
0x8: {  	s5 =	srdreg.scid  }
0x9: {  	s30 =	sshll.u32 s1, $0x1;
	s6 =	sand.u32 $0x1, s5  }
0xa: {  	s9 =	sor.u32 s6, s30  }
0xb: {  	s5 =	sadd.s32 s4, s9;
	s4 =	simm.s32 $0x2  }
0xc: {  	[tilespmem:s3], [sflag:$0x2] =	stream.linear.gather [hbm4b:s5+s3], $0x8, $0x38;
	[tilespmem:$0x880] =	vst v63  }
0xd: {  	_ =	swait.ge [sflag:s4], $0x8  }
0xe: {  	[sflag:s4] =	ssyncset.done $0x0  }
0xf: {  	[sflag:s4] =	ssyncadd.s32 $0xFFFFFFF8  }
0x10: {  	v0 =	vld.msk [tilespmem:$0x0], $0xff;
	_ =	sdelay $0x4  }
0x11: {  	v1 =	vshll.u32 v0, $0x1  }
0x12: {  	v2 =	vlaneseq.u32;
	v3 =	vand.u32 $0x7, v0;
	v1 =	vand.u32 $0xFFFFFFF0, v1  }
0x13: {  	v0 =	vand.u32 $0x7, v2;
	v2 =	vshrl.u32 v2, $0x3;
	v3 =	vor.u32 v3, v1  }
0x14: {  	v1 =	vmul.u32 $0x8, v2;
	v2 =	vperm.xlane v3, v0;
	_ =	sdelay $0x1  }
0x15: {  	v2 =	vadd.s32 v1, v2  }
0x16: {  	s10 =	ssub.s32 $0x2, s6  }
0x17: {  	s11 =	sshrl.u32 s10, $0x1  }
0x18: {  	s10 =	ssub.s32 s10, s11  }
0x19: {  	vm0 =	vmmov $0xffff;
	s7 =	simm.s32 $0x1;
	s6 =	simm.s32 $0x80;
	s31 =	smax.u32 s10, $0x1  }
0x1a: {  	[tilespmem:s6], [sflag:$0x1] =	stream.indirect_vreg.gather [hbm4b:s2+s3], $0x80, v2, vm0, $0xb8;
	[tilespmem:$0x880] =	vst v63  }
0x1b: {  	p0 =	sne.s32 s31, $0x1;
	_ =	swait.ge [sflag:s7], $0x800  }
.Ltmp1:
0x1c: {  	s9 =	sshll.u32 s9, $0x8;
	[sflag:s7] =	ssyncset.done $0x0;
	(pc) =	sbr.rel @!p0 .LBB2_3-.Ltmp1, $4  }
0x1d: {  	s8 =	sadd.s32 s8, s9;
	[sflag:s7] =	ssyncadd.s32 $0xFFFFF800  }
0x1e: {  	[hbm4b:s8+s3] =	stream.linear.scatter [tilespmem:s6], [sflag:$0x2], $0x800, $0x38;
	[tilespmem:$0x880] =	vst v63  }
0x1f: {  	_ =	swait.ge [sflag:s4], $0x800  }
0x20: {  	s9 =	sadd.s32 $0xFFFFFFFF, s31;
	[sflag:s4] =	ssyncset.done $0x0  }
.LBB2_2:
0x21: {  	p0 =	sne.s32 s9, $0x1;
	s9 =	sadd.s32 $0xFFFFFFFF, s9;
	[sflag:s4] =	ssyncadd.s32 $0xFFFFF800  }
0x22: {  	[tilespmem:s3], [sflag:$0x2] =	stream.linear.gather [hbm4b:s5+s3], $0x8, $0x38;
	[tilespmem:$0x880] =	vst v63  }
0x23: {  	_ =	swait.ge [sflag:s4], $0x8  }
0x24: {  	[sflag:s4] =	ssyncset.done $0x0  }
0x25: {  	[sflag:s4] =	ssyncadd.s32 $0xFFFFFFF8  }
0x26: {  	v2 =	vld.msk [tilespmem:$0x0], $0xff;
	_ =	sdelay $0x4  }
0x27: {  	v3 =	vshll.u32 v2, $0x1  }
0x28: {  	v2 =	vand.u32 $0x7, v2;
	v3 =	vand.u32 $0xFFFFFFF0, v3  }
0x29: {  	v2 =	vor.u32 v2, v3  }
0x2a: {  	v2 =	vperm.xlane v2, v0;
	_ =	sdelay $0x1  }
0x2b: {  	v2 =	vadd.s32 v1, v2;
	_ =	sdelay $0x4  }
0x2c: {  	[tilespmem:s6], [sflag:$0x1] =	stream.indirect_vreg.gather [hbm4b:s2+s3], $0x80, v2, vm0, $0xb8;
	[tilespmem:$0x880] =	vst v63  }
0x2d: {  	_ =	swait.ge [sflag:s7], $0x800  }
.Ltmp2:
0x2e: {  	[sflag:s7] =	ssyncset.done $0x0;
	(pc) =	sbr.rel @p0 .LBB2_2-.Ltmp2, $4  }
0x2f: {  	[sflag:s7] =	ssyncadd.s32 $0xFFFFF800  }
0x30: {  	[hbm4b:s8+s3] =	stream.linear.scatter [tilespmem:s6], [sflag:$0x2], $0x800, $0x38;
	[tilespmem:$0x880] =	vst v63  }
0x31: {  	_ =	swait.ge [sflag:s4], $0x800  }
0x32: {  	[sflag:s4] =	ssyncset.done $0x0  }
.LBB2_3:
0x33: {  	[sflag:s4] =	ssyncadd.s32 $0xFFFFF800  }
.LBB2_4:
0x34: {  	_ =	sfence.sel $0x180000  }
0x35: {  	[bflag:$0x0] =	sbarrier.arrive $0xFFFF  }
0x36: {  	p0 =	sne.s32 s1, $0x0;
	_ =	strace $0x90000047  }
0x37: {  	s0 =	sadd.s32 @!p0 $0x100000, s0;
	[bflag:$0x2] =	sbarrier.arrive $0xFFFF  }
0x38: {  	[sflag:s0] =	ssyncadd.tile.s32 @!p0 $0x1;
	_ =	shalt  }
.Lfunc_end2:
_tile_overlayer_lowered:
.L_overlay_start_2:
0x39: {  	(tag) =	ssettag $0x2  }
0x3a: {  	s0 =	rddreg [dreg:$0x0];
	s2 =	stileid.u32  }
0x3b: {  	s1 =	rddreg [dreg:$0x1];
	p0 =	sne.s32 s2, $0x0  }
0x3c: {  	s3 =	rddreg [dreg:$0x2];
	[bflag:$0x3] =	sbarrier.arrive $0xFFFF;
	s2 =	simm.s32 @!p0 $0x1C02  }
0x3d: {  	[timem:s3], [sflag:s2] =	dma.local @!p0 [hbm:s0], s1  }
0x3e: {  	s0 =	simm.s32 @!p0 $0x2  }
0x3f: {  	_ =	swait.ge @!p0 [sflag:s0], s1  }
0x40: {  	s1 =	ssub.s32 @!p0 $0x0, s1;
	[sflag:s0] =	ssyncset.done @!p0 $0x0  }
0x41: {  	[sflag:s0] =	ssyncadd.s32 @!p0 s1  }
0x42: {  	[bflag:$0x3] =	sbarrier.arrive $0xFFFF  }
0x43: {  	_ =	shalt  }

</sc_bundles>
